<compile_context>
chip_gen: v7x
topology: tpu7x:2x2x1
jax: 0.10.2.dev20260603
libtpu: 0.0.44.dev20260713+nightly
codegen_flags: <defaults>
</compile_context>

<pallas_src>
import jax
import jax.numpy as jnp
from jax import lax
from jax.experimental import pallas as pl
from jax.experimental.pallas import tpu as pltpu
from jax.experimental.pallas import tpu_sc as plsc

N_NODES = 10000
N_EDGES = 320000
D = 128
DE = 16

NC = 2
NS = 16
NW = NC * NS
EPW = N_EDGES // NW
CH = 80
NCH = EPW // CH
NP = 10240
RPT = NP // NS

EBLK = 2000
NEB = N_EDGES // EBLK
NBLK = 1000
NNB = N_NODES // NBLK


def _proj_body(x_ref, wa_ref, wb_ref, b1_ref, p_ref, q_ref):
    xb = x_ref[...]
    p_ref[...] = jnp.dot(xb, wa_ref[...], preferred_element_type=jnp.float32)
    q_ref[...] = (jnp.dot(xb, wb_ref[...], preferred_element_type=jnp.float32)
                  + b1_ref[...])


def _gather_body(p_hbm, q_hbm, src_hbm, dst_hbm, gs_hbm, gd_hbm,
                 idxs_v, idxd_v, buf_v, sem):
    c = lax.axis_index("c")
    s = lax.axis_index("s")
    wid = s * NC + c
    base = wid * EPW
    pltpu.sync_copy(src_hbm.at[wid], idxs_v)
    pltpu.sync_copy(dst_hbm.at[wid], idxd_v)

    def step(ch, carry):
        off = base + ch * CH
        pltpu.async_copy(p_hbm.at[idxs_v.at[ch]], buf_v, sem).wait()
        pltpu.sync_copy(buf_v, gs_hbm.at[pl.ds(off, CH)])
        pltpu.async_copy(q_hbm.at[idxd_v.at[ch]], buf_v, sem).wait()
        pltpu.sync_copy(buf_v, gd_hbm.at[pl.ds(off, CH)])
        return carry

    lax.fori_loop(0, NCH, step, 0)


def _mlp_body(gs_ref, gd_ref, a_ref, w1c_ref, w2_ref, b2_ref, w3_ref, b3_ref,
              w4_ref, b4_ref, msg_ref):
    h = gs_ref[...] + gd_ref[...] + jnp.dot(
        a_ref[...], w1c_ref[...], preferred_element_type=jnp.float32)
    h = jnp.maximum(h, 0.0)
    h = jnp.maximum(
        jnp.dot(h, w2_ref[...], preferred_element_type=jnp.float32)
        + b2_ref[...], 0.0)
    h = jnp.maximum(
        jnp.dot(h, w3_ref[...], preferred_element_type=jnp.float32)
        + b3_ref[...], 0.0)
    msg_ref[...] = jnp.dot(
        h, w4_ref[...], preferred_element_type=jnp.float32) + b4_ref[...]


def _scatter_body(msg_hbm, dst_hbm, zero_hbm, part_hbm, idx_v, mbuf_v, acc_sh):
    c = lax.axis_index("c")
    s = lax.axis_index("s")
    wid = s * NC + c
    row0 = s * RPT
    pltpu.sync_copy(zero_hbm.at[pl.ds(row0, RPT)], acc_sh.at[pl.ds(row0, RPT)])
    pltpu.sync_copy(dst_hbm.at[wid], idx_v)
    plsc.subcore_barrier()
    base = wid * EPW

    def step(ch, carry):
        pltpu.sync_copy(msg_hbm.at[pl.ds(base + ch * CH, CH)], mbuf_v)
        pltpu.sync_copy(mbuf_v, acc_sh.at[idx_v.at[ch]], add=True)
        return carry

    lax.fori_loop(0, NCH, step, 0)
    plsc.subcore_barrier()
    pltpu.sync_copy(acc_sh.at[pl.ds(row0, RPT)], part_hbm.at[c, pl.ds(row0, RPT)])


def _sum_body(p_ref, o_ref):
    o_ref[...] = p_ref[0] + p_ref[1]


def kernel(x, edge_index, edge_attr, W1, b1, W2, b2, W3, b3, W4, b4):
    W1a = W1[:D]
    W1b = W1[D:2 * D]
    W1c = W1[2 * D:]
    src3 = edge_index[0].reshape(NW, NCH, CH)
    dst3 = edge_index[1].reshape(NW, NCH, CH)
    zeros = jnp.zeros((NP, D), jnp.float32)

    P, Q = pl.pallas_call(
        _proj_body,
        grid=(NNB,),
        in_specs=[pl.BlockSpec((NBLK, D), lambda i: (i, 0)),
                  pl.BlockSpec((D, D), lambda i: (0, 0)),
                  pl.BlockSpec((D, D), lambda i: (0, 0)),
                  pl.BlockSpec((1, D), lambda i: (0, 0))],
        out_specs=[pl.BlockSpec((NBLK, D), lambda i: (i, 0)),
                   pl.BlockSpec((NBLK, D), lambda i: (i, 0))],
        out_shape=[jax.ShapeDtypeStruct((N_NODES, D), jnp.float32)] * 2,
    )(x, W1a, W1b, b1.reshape(1, D))

    mesh = plsc.VectorSubcoreMesh(core_axis_name="c", subcore_axis_name="s")
    Gs, Gd = pl.kernel(
        _gather_body,
        out_type=[jax.ShapeDtypeStruct((N_EDGES, D), jnp.float32)] * 2,
        mesh=mesh,
        scratch_types=[pltpu.VMEM((NCH, CH), jnp.int32),
                       pltpu.VMEM((NCH, CH), jnp.int32),
                       pltpu.VMEM((CH, D), jnp.float32),
                       pltpu.SemaphoreType.DMA],
    )(P, Q, src3, dst3)

    messages = pl.pallas_call(
        _mlp_body,
        grid=(NEB,),
        in_specs=[pl.BlockSpec((EBLK, D), lambda i: (i, 0)),
                  pl.BlockSpec((EBLK, D), lambda i: (i, 0)),
                  pl.BlockSpec((EBLK, DE), lambda i: (i, 0)),
                  pl.BlockSpec((DE, D), lambda i: (0, 0)),
                  pl.BlockSpec((D, D), lambda i: (0, 0)),
                  pl.BlockSpec((1, D), lambda i: (0, 0)),
                  pl.BlockSpec((D, D), lambda i: (0, 0)),
                  pl.BlockSpec((1, D), lambda i: (0, 0)),
                  pl.BlockSpec((D, D), lambda i: (0, 0)),
                  pl.BlockSpec((1, D), lambda i: (0, 0))],
        out_specs=pl.BlockSpec((EBLK, D), lambda i: (i, 0)),
        out_shape=jax.ShapeDtypeStruct((N_EDGES, D), jnp.float32),
    )(Gs, Gd, edge_attr, W1c, W2, b2.reshape(1, D), W3, b3.reshape(1, D),
      W4, b4.reshape(1, D))

    partials = pl.kernel(
        _scatter_body,
        out_type=jax.ShapeDtypeStruct((NC, NP, D), jnp.float32),
        mesh=mesh,
        scratch_types=[pltpu.VMEM((NCH, CH), jnp.int32),
                       pltpu.VMEM((CH, D), jnp.float32),
                       pltpu.VMEM_SHARED((NP, D), jnp.float32)],
    )(messages, dst3, zeros)

    updates = pl.pallas_call(
        _sum_body,
        grid=(NNB,),
        in_specs=[pl.BlockSpec((NC, NBLK, D), lambda i: (0, i, 0))],
        out_specs=pl.BlockSpec((NBLK, D), lambda i: (i, 0)),
        out_shape=jax.ShapeDtypeStruct((N_NODES, D), jnp.float32),
    )(partials)

    return updates, messages

# --- scband reference (transcript-rebuilt; emitter-appended) ---
"""Pipeline reference for scband-sudoku-deeply-learned-messages-61710090109714 (READ-ONLY COPY).

The authoritative reference and input builder live on the scoring server;
editing this copy changes nothing except your own understanding.
"""

import jax, jax.numpy as jnp
import numpy as np

N_NODES = 10000
N_EDGES = 320000
D_FEAT = 128
D_EDGE = 16
D_OUT = 128


def setup_inputs(seed: int = 0) -> dict:
    key = jax.random.key(seed)
    ks = jax.random.split(key, 12)
    x = jax.random.normal(ks[0], (N_NODES, D_FEAT), dtype=jnp.float32)
    edge_index = jax.random.randint(ks[1], (2, N_EDGES), 0, N_NODES, dtype=jnp.int32)
    edge_attr = jax.random.normal(ks[2], (N_EDGES, D_EDGE), dtype=jnp.float32)
    d_in = 2 * D_FEAT + D_EDGE
    s = 0.05
    W1 = jax.random.normal(ks[3], (d_in, D_OUT), dtype=jnp.float32) * s
    b1 = jnp.zeros((D_OUT,), dtype=jnp.float32)
    W2 = jax.random.normal(ks[4], (D_OUT, D_OUT), dtype=jnp.float32) * s
    b2 = jnp.zeros((D_OUT,), dtype=jnp.float32)
    W3 = jax.random.normal(ks[5], (D_OUT, D_OUT), dtype=jnp.float32) * s
    b3 = jnp.zeros((D_OUT,), dtype=jnp.float32)
    W4 = jax.random.normal(ks[6], (D_OUT, D_OUT), dtype=jnp.float32) * s
    b4 = jnp.zeros((D_OUT,), dtype=jnp.float32)
    return {"x": x, "edge_index": edge_index, "edge_attr": edge_attr,
            "W1": W1, "b1": b1, "W2": W2, "b2": b2,
            "W3": W3, "b3": b3, "W4": W4, "b4": b4}


def _message_mlp(h, W1, b1, W2, b2, W3, b3, W4, b4):
    # mlp(x, 'C2', n_out): 3 fully_connected (relu) + 1 linear, mirroring layers.fully_connected defaults
    h = jax.nn.relu(h @ W1 + b1)
    h = jax.nn.relu(h @ W2 + b2)
    h = jax.nn.relu(h @ W3 + b3)
    return h @ W4 + b4


def reference(x, edge_index, edge_attr, W1, b1, W2, b2, W3, b3, W4, b4):
    # message_passing: gather endpoint features, concat edge features, MLP message fn, scatter-add at dst
    src = jnp.take(x, edge_index[0], axis=0)
    dst = jnp.take(x, edge_index[1], axis=0)
    message_inputs = jnp.concatenate([src, dst, edge_attr], axis=1)
    messages = _message_mlp(message_inputs, W1, b1, W2, b2, W3, b3, W4, b4)
    # edge_keep_prob = 1.0 -> dropout is identity
    updates = jnp.zeros((x.shape[0], messages.shape[1]), dtype=messages.dtype).at[edge_index[1]].add(messages)
    return updates, messages

if __name__ == "__main__":
    import jax
    _d = setup_inputs()
    print(jax.jit(kernel)(*tuple(_d.values())))

</pallas_src>

<mosaic_0001>
#map = affine_map<(d0, d1) -> (0, 0)>
#map1 = affine_map<(d0, d1) -> (0, 0, 0)>
module attributes {stable_mosaic.version = 14 : i64} {
  func.func @_scatter_body(%arg0: i32, %arg1: i32, %arg2: memref<320000x128xf32, #tpu.memory_space<hbm>>, %arg3: memref<32x125x80xi32, #tpu.memory_space<hbm>>, %arg4: memref<10240x128xf32, #tpu.memory_space<hbm>>, %arg5: memref<2x10240x128xf32, #tpu.memory_space<hbm>>, %arg6: memref<125x80xi32, #tpu.memory_space<vmem>>, %arg7: memref<80x128xf32, #tpu.memory_space<vmem>>, %arg8: memref<10240x128xf32, #tpu.memory_space<vmem_shared>>) attributes {dimension_semantics = [#tpu.dimension_semantics<core_parallel>, #tpu.dimension_semantics<subcore_parallel>], iteration_bounds = array<i64: 2, 16>, scalar_prefetch = 0 : i64, scratch_operands = 3 : i64, tpu.core_type = #tpu.core_type<sc_vector_subcore>, window_params = [{transform_indices = #map}, {transform_indices = #map1}, {transform_indices = #map}, {transform_indices = #map1}]} {
    %mul3A = arith.constant 2 : i32
    %mul3A_0 = arith.muli %arg1, %mul3A : i32
    %add3A = arith.addi %mul3A_0, %arg0 : i32
    %mul3A_1 = arith.constant 640 : i32
    %mul3A_2 = arith.muli %arg1, %mul3A_1 : i32
    "tpu.region"() ({
      %run_scoped3A = tpu.sem_alloc : memref<!tpu.dma_semaphore, #tpu.memory_space<semaphore_mem>>
      %dma_start3A = arith.constant 0 : i32
      %dma_start3A_11 = tpu.memref_slice %arg8[%mul3A_2, %dma_start3A] : memref<10240x128xf32, #tpu.memory_space<vmem_shared>> -> memref<640x128xf32, #tpu.memory_space<vmem_shared>>
      %dma_start3A_12 = arith.constant 0 : i32
      %dma_start3A_13 = tpu.memref_slice %arg4[%mul3A_2, %dma_start3A_12] : memref<10240x128xf32, #tpu.memory_space<hbm>> -> memref<640x128xf32, #tpu.memory_space<hbm>>
      tpu.enqueue_dma source(%dma_start3A_13 : memref<640x128xf32, #tpu.memory_space<hbm>>) target(%dma_start3A_11 : memref<640x128xf32, #tpu.memory_space<vmem_shared>>) target_semaphore(%run_scoped3A : memref<!tpu.dma_semaphore, #tpu.memory_space<semaphore_mem>>)
      %dma_wait3A = arith.constant 0 : i32
      %dma_wait3A_14 = tpu.memref_slice %arg8[%mul3A_2, %dma_wait3A] : memref<10240x128xf32, #tpu.memory_space<vmem_shared>> -> memref<640x128xf32, #tpu.memory_space<vmem_shared>>
      %dma_wait3A_15 = arith.constant 0 : i32
      %dma_wait3A_16 = tpu.memref_slice %arg4[%mul3A_2, %dma_wait3A_15] : memref<10240x128xf32, #tpu.memory_space<hbm>> -> memref<640x128xf32, #tpu.memory_space<hbm>>
      tpu.wait_dma2 semaphore(%run_scoped3A : memref<!tpu.dma_semaphore, #tpu.memory_space<semaphore_mem>>) src(%dma_wait3A_16 : memref<640x128xf32, #tpu.memory_space<hbm>>) dst(%dma_wait3A_14 : memref<640x128xf32, #tpu.memory_space<vmem_shared>>)
      tpu.yield
    }) : () -> ()
    "tpu.region"() ({
      %run_scoped3A = tpu.sem_alloc : memref<!tpu.dma_semaphore, #tpu.memory_space<semaphore_mem>>
      %dma_start3A = arith.constant 0 : i32
      %dma_start3A_11 = arith.constant 0 : i32
      %dma_start3A_12 = tpu.memref_slice %arg3[%add3A, %dma_start3A, %dma_start3A_11] : memref<32x125x80xi32, #tpu.memory_space<hbm>> -> memref<1x125x80xi32, #tpu.memory_space<hbm>>
      %dma_start3A_13 = tpu.memref_squeeze %dma_start3A_12 : memref<1x125x80xi32, #tpu.memory_space<hbm>> -> memref<125x80xi32, #tpu.memory_space<hbm>>
      %dma_start3A_14 = arith.constant 0 : i32
      %dma_start3A_15 = arith.constant 0 : i32
      %dma_start3A_16 = tpu.memref_slice %arg3[%add3A, %dma_start3A_14, %dma_start3A_15] : memref<32x125x80xi32, #tpu.memory_space<hbm>> -> memref<1x125x80xi32, #tpu.memory_space<hbm>>
      %dma_start3A_17 = tpu.memref_squeeze %dma_start3A_16 : memref<1x125x80xi32, #tpu.memory_space<hbm>> -> memref<125x80xi32, #tpu.memory_space<hbm>>
      tpu.enqueue_dma source(%dma_start3A_17 : memref<125x80xi32, #tpu.memory_space<hbm>>) target(%arg6 : memref<125x80xi32, #tpu.memory_space<vmem>>) target_semaphore(%run_scoped3A : memref<!tpu.dma_semaphore, #tpu.memory_space<semaphore_mem>>)
      %dma_wait3A = arith.constant 0 : i32
      %dma_wait3A_18 = arith.constant 0 : i32
      %dma_wait3A_19 = tpu.memref_slice %arg3[%add3A, %dma_wait3A, %dma_wait3A_18] : memref<32x125x80xi32, #tpu.memory_space<hbm>> -> memref<1x125x80xi32, #tpu.memory_space<hbm>>
      %dma_wait3A_20 = tpu.memref_squeeze %dma_wait3A_19 : memref<1x125x80xi32, #tpu.memory_space<hbm>> -> memref<125x80xi32, #tpu.memory_space<hbm>>
      %dma_wait3A_21 = arith.constant 0 : i32
      %dma_wait3A_22 = arith.constant 0 : i32
      %dma_wait3A_23 = tpu.memref_slice %arg3[%add3A, %dma_wait3A_21, %dma_wait3A_22] : memref<32x125x80xi32, #tpu.memory_space<hbm>> -> memref<1x125x80xi32, #tpu.memory_space<hbm>>
      %dma_wait3A_24 = tpu.memref_squeeze %dma_wait3A_23 : memref<1x125x80xi32, #tpu.memory_space<hbm>> -> memref<125x80xi32, #tpu.memory_space<hbm>>
      tpu.wait_dma2 semaphore(%run_scoped3A : memref<!tpu.dma_semaphore, #tpu.memory_space<semaphore_mem>>) src(%dma_wait3A_24 : memref<125x80xi32, #tpu.memory_space<hbm>>) dst(%arg6 : memref<125x80xi32, #tpu.memory_space<vmem>>)
      tpu.yield
    }) : () -> ()
    %barrier3A = arith.constant 0 : index
    tpu.barrier barrier_id(%barrier3A)
    %mul3A_3 = arith.constant 10000 : i32
    %mul3A_4 = arith.muli %add3A, %mul3A_3 : i32
    %scan3A = arith.constant 0 : i32
    %scan3A_5 = arith.constant 0 : i32
    %scan3A_6 = arith.constant 125 : i32
    %scan3A_7 = arith.addi %scan3A_5, %scan3A_6 : i32
    %scan3A_8 = arith.constant 1 : i32
    scf.for %scan3A_11 = %scan3A_5 to %scan3A_7 step %scan3A_8  : i32 {
      %mul3A_12 = arith.constant 80 : i32
      %mul3A_13 = arith.muli %scan3A_11, %mul3A_12 : i32
      %add3A_14 = arith.addi %mul3A_4, %mul3A_13 : i32
      "tpu.region"() ({
        %run_scoped3A = tpu.sem_alloc : memref<!tpu.dma_semaphore, #tpu.memory_space<semaphore_mem>>
        %dma_start3A = arith.constant 0 : i32
        %dma_start3A_15 = tpu.memref_slice %arg2[%add3A_14, %dma_start3A] : memref<320000x128xf32, #tpu.memory_space<hbm>> -> memref<80x128xf32, #tpu.memory_space<hbm>>
        %dma_start3A_16 = arith.constant 0 : i32
        %dma_start3A_17 = tpu.memref_slice %arg2[%add3A_14, %dma_start3A_16] : memref<320000x128xf32, #tpu.memory_space<hbm>> -> memref<80x128xf32, #tpu.memory_space<hbm>>
        tpu.enqueue_dma source(%dma_start3A_17 : memref<80x128xf32, #tpu.memory_space<hbm>>) target(%arg7 : memref<80x128xf32, #tpu.memory_space<vmem>>) target_semaphore(%run_scoped3A : memref<!tpu.dma_semaphore, #tpu.memory_space<semaphore_mem>>)
        %dma_wait3A = arith.constant 0 : i32
        %dma_wait3A_18 = tpu.memref_slice %arg2[%add3A_14, %dma_wait3A] : memref<320000x128xf32, #tpu.memory_space<hbm>> -> memref<80x128xf32, #tpu.memory_space<hbm>>
        %dma_wait3A_19 = arith.constant 0 : i32
        %dma_wait3A_20 = tpu.memref_slice %arg2[%add3A_14, %dma_wait3A_19] : memref<320000x128xf32, #tpu.memory_space<hbm>> -> memref<80x128xf32, #tpu.memory_space<hbm>>
        tpu.wait_dma2 semaphore(%run_scoped3A : memref<!tpu.dma_semaphore, #tpu.memory_space<semaphore_mem>>) src(%dma_wait3A_20 : memref<80x128xf32, #tpu.memory_space<hbm>>) dst(%arg7 : memref<80x128xf32, #tpu.memory_space<vmem>>)
        tpu.yield
      }) : () -> ()
      "tpu.region"() ({
        %run_scoped3A = tpu.sem_alloc : memref<!tpu.dma_semaphore, #tpu.memory_space<semaphore_mem>>
        %dma_start3A = arith.constant 0 : i32
        %dma_start3A_15 = tpu.memref_slice %arg6[%scan3A_11, %dma_start3A] : memref<125x80xi32, #tpu.memory_space<vmem>> -> memref<1x80xi32, #tpu.memory_space<vmem>>
        %dma_start3A_16 = tpu.memref_squeeze %dma_start3A_15 : memref<1x80xi32, #tpu.memory_space<vmem>> -> memref<80xi32, #tpu.memory_space<vmem>>
        %dma_start3A_17 = arith.constant 0 : i32
        %dma_start3A_18 = arith.constant 0 : i32
        %dma_start3A_19 = tpu.memref_slice %arg8[%dma_start3A_17, %dma_start3A_18] : memref<10240x128xf32, #tpu.memory_space<vmem_shared>> -> memref<10240x128xf32, #tpu.memory_space<vmem_shared>>
        tpu.enqueue_indirect_dma source(%arg7 : memref<80x128xf32, #tpu.memory_space<vmem>>) target(%dma_start3A_19 : memref<10240x128xf32, #tpu.memory_space<vmem_shared>>) offsets(%dma_start3A_16 : memref<80xi32, #tpu.memory_space<vmem>>) semaphore(%run_scoped3A : memref<!tpu.dma_semaphore, #tpu.memory_space<semaphore_mem>>) {add = true}
        %dma_wait3A = arith.constant 0 : i32
        %dma_wait3A_20 = tpu.memref_slice %arg6[%scan3A_11, %dma_wait3A] : memref<125x80xi32, #tpu.memory_space<vmem>> -> memref<1x80xi32, #tpu.memory_space<vmem>>
        %dma_wait3A_21 = tpu.memref_squeeze %dma_wait3A_20 : memref<1x80xi32, #tpu.memory_space<vmem>> -> memref<80xi32, #tpu.memory_space<vmem>>
        %dma_wait3A_22 = arith.constant 0 : i32
        %dma_wait3A_23 = arith.constant 0 : i32
        %dma_wait3A_24 = tpu.memref_slice %arg8[%dma_wait3A_22, %dma_wait3A_23] : memref<10240x128xf32, #tpu.memory_space<vmem_shared>> -> memref<10240x128xf32, #tpu.memory_space<vmem_shared>>
        tpu.wait_indirect_dma semaphore(%run_scoped3A : memref<!tpu.dma_semaphore, #tpu.memory_space<semaphore_mem>>) src(%arg7 : memref<80x128xf32, #tpu.memory_space<vmem>>) dst(%dma_wait3A_24 : memref<10240x128xf32, #tpu.memory_space<vmem_shared>>)
        tpu.yield
      }) : () -> ()
    }
    %scan3A_9 = arith.constant 125 : i32
    %barrier3A_10 = arith.constant 0 : index
    tpu.barrier barrier_id(%barrier3A_10)
    "tpu.region"() ({
      %run_scoped3A = tpu.sem_alloc : memref<!tpu.dma_semaphore, #tpu.memory_space<semaphore_mem>>
      %dma_start3A = arith.constant 0 : i32
      %dma_start3A_11 = tpu.memref_slice %arg5[%arg0, %mul3A_2, %dma_start3A] : memref<2x10240x128xf32, #tpu.memory_space<hbm>> -> memref<1x640x128xf32, #tpu.memory_space<hbm>>
      %dma_start3A_12 = tpu.memref_squeeze %dma_start3A_11 : memref<1x640x128xf32, #tpu.memory_space<hbm>> -> memref<640x128xf32, #tpu.memory_space<hbm>>
      %dma_start3A_13 = arith.constant 0 : i32
      %dma_start3A_14 = tpu.memref_slice %arg8[%mul3A_2, %dma_start3A_13] : memref<10240x128xf32, #tpu.memory_space<vmem_shared>> -> memref<640x128xf32, #tpu.memory_space<vmem_shared>>
      tpu.enqueue_dma source(%dma_start3A_14 : memref<640x128xf32, #tpu.memory_space<vmem_shared>>) target(%dma_start3A_12 : memref<640x128xf32, #tpu.memory_space<hbm>>) target_semaphore(%run_scoped3A : memref<!tpu.dma_semaphore, #tpu.memory_space<semaphore_mem>>)
      %dma_wait3A = arith.constant 0 : i32
      %dma_wait3A_15 = tpu.memref_slice %arg5[%arg0, %mul3A_2, %dma_wait3A] : memref<2x10240x128xf32, #tpu.memory_space<hbm>> -> memref<1x640x128xf32, #tpu.memory_space<hbm>>
      %dma_wait3A_16 = tpu.memref_squeeze %dma_wait3A_15 : memref<1x640x128xf32, #tpu.memory_space<hbm>> -> memref<640x128xf32, #tpu.memory_space<hbm>>
      %dma_wait3A_17 = arith.constant 0 : i32
      %dma_wait3A_18 = tpu.memref_slice %arg8[%mul3A_2, %dma_wait3A_17] : memref<10240x128xf32, #tpu.memory_space<vmem_shared>> -> memref<640x128xf32, #tpu.memory_space<vmem_shared>>
      tpu.wait_dma2 semaphore(%run_scoped3A : memref<!tpu.dma_semaphore, #tpu.memory_space<semaphore_mem>>) src(%dma_wait3A_18 : memref<640x128xf32, #tpu.memory_space<vmem_shared>>) dst(%dma_wait3A_16 : memref<640x128xf32, #tpu.memory_space<hbm>>)
      tpu.yield
    }) : () -> ()
    return
  }
}

#map = affine_map<(d0, d1) -> (0, 0)>
#map1 = affine_map<(d0, d1) -> (0, 0, 0)>
module attributes {stable_mosaic.version = 14 : i64} {
  func.func @_gather_body(%arg0: i32, %arg1: i32, %arg2: memref<10000x128xf32, #tpu.memory_space<hbm>>, %arg3: memref<10000x128xf32, #tpu.memory_space<hbm>>, %arg4: memref<32x125x80xi32, #tpu.memory_space<hbm>>, %arg5: memref<32x125x80xi32, #tpu.memory_space<hbm>>, %arg6: memref<320000x128xf32, #tpu.memory_space<hbm>>, %arg7: memref<320000x128xf32, #tpu.memory_space<hbm>>, %arg8: memref<125x80xi32, #tpu.memory_space<vmem>>, %arg9: memref<125x80xi32, #tpu.memory_space<vmem>>, %arg10: memref<80x128xf32, #tpu.memory_space<vmem>>, %arg11: memref<!tpu.dma_semaphore, #tpu.memory_space<semaphore_mem>>) attributes {dimension_semantics = [#tpu.dimension_semantics<core_parallel>, #tpu.dimension_semantics<subcore_parallel>], iteration_bounds = array<i64: 2, 16>, scalar_prefetch = 0 : i64, scratch_operands = 4 : i64, tpu.core_type = #tpu.core_type<sc_vector_subcore>, window_params = [{transform_indices = #map}, {transform_indices = #map}, {transform_indices = #map1}, {transform_indices = #map1}, {transform_indices = #map}, {transform_indices = #map}]} {
    %mul3A = arith.constant 2 : i32
    %mul3A_0 = arith.muli %arg1, %mul3A : i32
    %add3A = arith.addi %mul3A_0, %arg0 : i32
    %mul3A_1 = arith.constant 10000 : i32
    %mul3A_2 = arith.muli %add3A, %mul3A_1 : i32
    "tpu.region"() ({
      %run_scoped3A = tpu.sem_alloc : memref<!tpu.dma_semaphore, #tpu.memory_space<semaphore_mem>>
      %dma_start3A = arith.constant 0 : i32
      %dma_start3A_8 = arith.constant 0 : i32
      %dma_start3A_9 = tpu.memref_slice %arg4[%add3A, %dma_start3A, %dma_start3A_8] : memref<32x125x80xi32, #tpu.memory_space<hbm>> -> memref<1x125x80xi32, #tpu.memory_space<hbm>>
      %dma_start3A_10 = tpu.memref_squeeze %dma_start3A_9 : memref<1x125x80xi32, #tpu.memory_space<hbm>> -> memref<125x80xi32, #tpu.memory_space<hbm>>
      %dma_start3A_11 = arith.constant 0 : i32
      %dma_start3A_12 = arith.constant 0 : i32
      %dma_start3A_13 = tpu.memref_slice %arg4[%add3A, %dma_start3A_11, %dma_start3A_12] : memref<32x125x80xi32, #tpu.memory_space<hbm>> -> memref<1x125x80xi32, #tpu.memory_space<hbm>>
      %dma_start3A_14 = tpu.memref_squeeze %dma_start3A_13 : memref<1x125x80xi32, #tpu.memory_space<hbm>> -> memref<125x80xi32, #tpu.memory_space<hbm>>
      tpu.enqueue_dma source(%dma_start3A_14 : memref<125x80xi32, #tpu.memory_space<hbm>>) target(%arg8 : memref<125x80xi32, #tpu.memory_space<vmem>>) target_semaphore(%run_scoped3A : memref<!tpu.dma_semaphore, #tpu.memory_space<semaphore_mem>>)
      %dma_wait3A = arith.constant 0 : i32
      %dma_wait3A_15 = arith.constant 0 : i32
      %dma_wait3A_16 = tpu.memref_slice %arg4[%add3A, %dma_wait3A, %dma_wait3A_15] : memref<32x125x80xi32, #tpu.memory_space<hbm>> -> memref<1x125x80xi32, #tpu.memory_space<hbm>>
      %dma_wait3A_17 = tpu.memref_squeeze %dma_wait3A_16 : memref<1x125x80xi32, #tpu.memory_space<hbm>> -> memref<125x80xi32, #tpu.memory_space<hbm>>
      %dma_wait3A_18 = arith.constant 0 : i32
      %dma_wait3A_19 = arith.constant 0 : i32
      %dma_wait3A_20 = tpu.memref_slice %arg4[%add3A, %dma_wait3A_18, %dma_wait3A_19] : memref<32x125x80xi32, #tpu.memory_space<hbm>> -> memref<1x125x80xi32, #tpu.memory_space<hbm>>
      %dma_wait3A_21 = tpu.memref_squeeze %dma_wait3A_20 : memref<1x125x80xi32, #tpu.memory_space<hbm>> -> memref<125x80xi32, #tpu.memory_space<hbm>>
      tpu.wait_dma2 semaphore(%run_scoped3A : memref<!tpu.dma_semaphore, #tpu.memory_space<semaphore_mem>>) src(%dma_wait3A_21 : memref<125x80xi32, #tpu.memory_space<hbm>>) dst(%arg8 : memref<125x80xi32, #tpu.memory_space<vmem>>)
      tpu.yield
    }) : () -> ()
    "tpu.region"() ({
      %run_scoped3A = tpu.sem_alloc : memref<!tpu.dma_semaphore, #tpu.memory_space<semaphore_mem>>
      %dma_start3A = arith.constant 0 : i32
      %dma_start3A_8 = arith.constant 0 : i32
      %dma_start3A_9 = tpu.memref_slice %arg5[%add3A, %dma_start3A, %dma_start3A_8] : memref<32x125x80xi32, #tpu.memory_space<hbm>> -> memref<1x125x80xi32, #tpu.memory_space<hbm>>
      %dma_start3A_10 = tpu.memref_squeeze %dma_start3A_9 : memref<1x125x80xi32, #tpu.memory_space<hbm>> -> memref<125x80xi32, #tpu.memory_space<hbm>>
      %dma_start3A_11 = arith.constant 0 : i32
      %dma_start3A_12 = arith.constant 0 : i32
      %dma_start3A_13 = tpu.memref_slice %arg5[%add3A, %dma_start3A_11, %dma_start3A_12] : memref<32x125x80xi32, #tpu.memory_space<hbm>> -> memref<1x125x80xi32, #tpu.memory_space<hbm>>
      %dma_start3A_14 = tpu.memref_squeeze %dma_start3A_13 : memref<1x125x80xi32, #tpu.memory_space<hbm>> -> memref<125x80xi32, #tpu.memory_space<hbm>>
      tpu.enqueue_dma source(%dma_start3A_14 : memref<125x80xi32, #tpu.memory_space<hbm>>) target(%arg9 : memref<125x80xi32, #tpu.memory_space<vmem>>) target_semaphore(%run_scoped3A : memref<!tpu.dma_semaphore, #tpu.memory_space<semaphore_mem>>)
      %dma_wait3A = arith.constant 0 : i32
      %dma_wait3A_15 = arith.constant 0 : i32
      %dma_wait3A_16 = tpu.memref_slice %arg5[%add3A, %dma_wait3A, %dma_wait3A_15] : memref<32x125x80xi32, #tpu.memory_space<hbm>> -> memref<1x125x80xi32, #tpu.memory_space<hbm>>
      %dma_wait3A_17 = tpu.memref_squeeze %dma_wait3A_16 : memref<1x125x80xi32, #tpu.memory_space<hbm>> -> memref<125x80xi32, #tpu.memory_space<hbm>>
      %dma_wait3A_18 = arith.constant 0 : i32
      %dma_wait3A_19 = arith.constant 0 : i32
      %dma_wait3A_20 = tpu.memref_slice %arg5[%add3A, %dma_wait3A_18, %dma_wait3A_19] : memref<32x125x80xi32, #tpu.memory_space<hbm>> -> memref<1x125x80xi32, #tpu.memory_space<hbm>>
      %dma_wait3A_21 = tpu.memref_squeeze %dma_wait3A_20 : memref<1x125x80xi32, #tpu.memory_space<hbm>> -> memref<125x80xi32, #tpu.memory_space<hbm>>
      tpu.wait_dma2 semaphore(%run_scoped3A : memref<!tpu.dma_semaphore, #tpu.memory_space<semaphore_mem>>) src(%dma_wait3A_21 : memref<125x80xi32, #tpu.memory_space<hbm>>) dst(%arg9 : memref<125x80xi32, #tpu.memory_space<vmem>>)
      tpu.yield
    }) : () -> ()
    %scan3A = arith.constant 0 : i32
    %scan3A_3 = arith.constant 0 : i32
    %scan3A_4 = arith.constant 125 : i32
    %scan3A_5 = arith.addi %scan3A_3, %scan3A_4 : i32
    %scan3A_6 = arith.constant 1 : i32
    scf.for %scan3A_8 = %scan3A_3 to %scan3A_5 step %scan3A_6  : i32 {
      %mul3A_9 = arith.constant 80 : i32
      %mul3A_10 = arith.muli %scan3A_8, %mul3A_9 : i32
      %add3A_11 = arith.addi %mul3A_2, %mul3A_10 : i32
      %dma_start3A = arith.constant 0 : i32
      %dma_start3A_12 = tpu.memref_slice %arg8[%scan3A_8, %dma_start3A] : memref<125x80xi32, #tpu.memory_space<vmem>> -> memref<1x80xi32, #tpu.memory_space<vmem>>
      %dma_start3A_13 = tpu.memref_squeeze %dma_start3A_12 : memref<1x80xi32, #tpu.memory_space<vmem>> -> memref<80xi32, #tpu.memory_space<vmem>>
      %dma_start3A_14 = arith.constant 0 : i32
      %dma_start3A_15 = arith.constant 0 : i32
      %dma_start3A_16 = tpu.memref_slice %arg2[%dma_start3A_14, %dma_start3A_15] : memref<10000x128xf32, #tpu.memory_space<hbm>> -> memref<10000x128xf32, #tpu.memory_space<hbm>>
      tpu.enqueue_indirect_dma source(%dma_start3A_16 : memref<10000x128xf32, #tpu.memory_space<hbm>>) target(%arg10 : memref<80x128xf32, #tpu.memory_space<vmem>>) offsets(%dma_start3A_13 : memref<80xi32, #tpu.memory_space<vmem>>) semaphore(%arg11 : memref<!tpu.dma_semaphore, #tpu.memory_space<semaphore_mem>>)
      %dma_wait3A = arith.constant 0 : i32
      %dma_wait3A_17 = tpu.memref_slice %arg8[%scan3A_8, %dma_wait3A] : memref<125x80xi32, #tpu.memory_space<vmem>> -> memref<1x80xi32, #tpu.memory_space<vmem>>
      %dma_wait3A_18 = tpu.memref_squeeze %dma_wait3A_17 : memref<1x80xi32, #tpu.memory_space<vmem>> -> memref<80xi32, #tpu.memory_space<vmem>>
      %dma_wait3A_19 = arith.constant 0 : i32
      %dma_wait3A_20 = arith.constant 0 : i32
      %dma_wait3A_21 = tpu.memref_slice %arg2[%dma_wait3A_19, %dma_wait3A_20] : memref<10000x128xf32, #tpu.memory_space<hbm>> -> memref<10000x128xf32, #tpu.memory_space<hbm>>
      tpu.wait_indirect_dma semaphore(%arg11 : memref<!tpu.dma_semaphore, #tpu.memory_space<semaphore_mem>>) src(%dma_wait3A_21 : memref<10000x128xf32, #tpu.memory_space<hbm>>) dst(%arg10 : memref<80x128xf32, #tpu.memory_space<vmem>>)
      "tpu.region"() ({
        %run_scoped3A = tpu.sem_alloc : memref<!tpu.dma_semaphore, #tpu.memory_space<semaphore_mem>>
        %dma_start3A_34 = arith.constant 0 : i32
        %dma_start3A_35 = tpu.memref_slice %arg6[%add3A_11, %dma_start3A_34] : memref<320000x128xf32, #tpu.memory_space<hbm>> -> memref<80x128xf32, #tpu.memory_space<hbm>>
        %dma_start3A_36 = arith.constant 0 : i32
        %dma_start3A_37 = tpu.memref_slice %arg6[%add3A_11, %dma_start3A_36] : memref<320000x128xf32, #tpu.memory_space<hbm>> -> memref<80x128xf32, #tpu.memory_space<hbm>>
        tpu.enqueue_dma source(%arg10 : memref<80x128xf32, #tpu.memory_space<vmem>>) target(%dma_start3A_37 : memref<80x128xf32, #tpu.memory_space<hbm>>) target_semaphore(%run_scoped3A : memref<!tpu.dma_semaphore, #tpu.memory_space<semaphore_mem>>)
        %dma_wait3A_38 = arith.constant 0 : i32
        %dma_wait3A_39 = tpu.memref_slice %arg6[%add3A_11, %dma_wait3A_38] : memref<320000x128xf32, #tpu.memory_space<hbm>> -> memref<80x128xf32, #tpu.memory_space<hbm>>
        %dma_wait3A_40 = arith.constant 0 : i32
        %dma_wait3A_41 = tpu.memref_slice %arg6[%add3A_11, %dma_wait3A_40] : memref<320000x128xf32, #tpu.memory_space<hbm>> -> memref<80x128xf32, #tpu.memory_space<hbm>>
        tpu.wait_dma2 semaphore(%run_scoped3A : memref<!tpu.dma_semaphore, #tpu.memory_space<semaphore_mem>>) src(%arg10 : memref<80x128xf32, #tpu.memory_space<vmem>>) dst(%dma_wait3A_41 : memref<80x128xf32, #tpu.memory_space<hbm>>)
        tpu.yield
      }) : () -> ()
      %dma_start3A_22 = arith.constant 0 : i32
      %dma_start3A_23 = tpu.memref_slice %arg9[%scan3A_8, %dma_start3A_22] : memref<125x80xi32, #tpu.memory_space<vmem>> -> memref<1x80xi32, #tpu.memory_space<vmem>>
      %dma_start3A_24 = tpu.memref_squeeze %dma_start3A_23 : memref<1x80xi32, #tpu.memory_space<vmem>> -> memref<80xi32, #tpu.memory_space<vmem>>
      %dma_start3A_25 = arith.constant 0 : i32
      %dma_start3A_26 = arith.constant 0 : i32
      %dma_start3A_27 = tpu.memref_slice %arg3[%dma_start3A_25, %dma_start3A_26] : memref<10000x128xf32, #tpu.memory_space<hbm>> -> memref<10000x128xf32, #tpu.memory_space<hbm>>
      tpu.enqueue_indirect_dma source(%dma_start3A_27 : memref<10000x128xf32, #tpu.memory_space<hbm>>) target(%arg10 : memref<80x128xf32, #tpu.memory_space<vmem>>) offsets(%dma_start3A_24 : memref<80xi32, #tpu.memory_space<vmem>>) semaphore(%arg11 : memref<!tpu.dma_semaphore, #tpu.memory_space<semaphore_mem>>)
      %dma_wait3A_28 = arith.constant 0 : i32
      %dma_wait3A_29 = tpu.memref_slice %arg9[%scan3A_8, %dma_wait3A_28] : memref<125x80xi32, #tpu.memory_space<vmem>> -> memref<1x80xi32, #tpu.memory_space<vmem>>
      %dma_wait3A_30 = tpu.memref_squeeze %dma_wait3A_29 : memref<1x80xi32, #tpu.memory_space<vmem>> -> memref<80xi32, #tpu.memory_space<vmem>>
      %dma_wait3A_31 = arith.constant 0 : i32
      %dma_wait3A_32 = arith.constant 0 : i32
      %dma_wait3A_33 = tpu.memref_slice %arg3[%dma_wait3A_31, %dma_wait3A_32] : memref<10000x128xf32, #tpu.memory_space<hbm>> -> memref<10000x128xf32, #tpu.memory_space<hbm>>
      tpu.wait_indirect_dma semaphore(%arg11 : memref<!tpu.dma_semaphore, #tpu.memory_space<semaphore_mem>>) src(%dma_wait3A_33 : memref<10000x128xf32, #tpu.memory_space<hbm>>) dst(%arg10 : memref<80x128xf32, #tpu.memory_space<vmem>>)
      "tpu.region"() ({
        %run_scoped3A = tpu.sem_alloc : memref<!tpu.dma_semaphore, #tpu.memory_space<semaphore_mem>>
        %dma_start3A_34 = arith.constant 0 : i32
        %dma_start3A_35 = tpu.memref_slice %arg7[%add3A_11, %dma_start3A_34] : memref<320000x128xf32, #tpu.memory_space<hbm>> -> memref<80x128xf32, #tpu.memory_space<hbm>>
        %dma_start3A_36 = arith.constant 0 : i32
        %dma_start3A_37 = tpu.memref_slice %arg7[%add3A_11, %dma_start3A_36] : memref<320000x128xf32, #tpu.memory_space<hbm>> -> memref<80x128xf32, #tpu.memory_space<hbm>>
        tpu.enqueue_dma source(%arg10 : memref<80x128xf32, #tpu.memory_space<vmem>>) target(%dma_start3A_37 : memref<80x128xf32, #tpu.memory_space<hbm>>) target_semaphore(%run_scoped3A : memref<!tpu.dma_semaphore, #tpu.memory_space<semaphore_mem>>)
        %dma_wait3A_38 = arith.constant 0 : i32
        %dma_wait3A_39 = tpu.memref_slice %arg7[%add3A_11, %dma_wait3A_38] : memref<320000x128xf32, #tpu.memory_space<hbm>> -> memref<80x128xf32, #tpu.memory_space<hbm>>
        %dma_wait3A_40 = arith.constant 0 : i32
        %dma_wait3A_41 = tpu.memref_slice %arg7[%add3A_11, %dma_wait3A_40] : memref<320000x128xf32, #tpu.memory_space<hbm>> -> memref<80x128xf32, #tpu.memory_space<hbm>>
        tpu.wait_dma2 semaphore(%run_scoped3A : memref<!tpu.dma_semaphore, #tpu.memory_space<semaphore_mem>>) src(%arg10 : memref<80x128xf32, #tpu.memory_space<vmem>>) dst(%dma_wait3A_41 : memref<80x128xf32, #tpu.memory_space<hbm>>)
        tpu.yield
      }) : () -> ()
    }
    %scan3A_7 = arith.constant 125 : i32
    return
  }
}

module attributes {stable_mosaic.version = 14 : i64} {
  func.func @_proj_body(%arg0: i32, %arg1: memref<1000x128xf32, #tpu.memory_space<vmem>>, %arg2: memref<128x128xf32, #tpu.memory_space<vmem>>, %arg3: memref<128x128xf32, #tpu.memory_space<vmem>>, %arg4: memref<1x128xf32, #tpu.memory_space<vmem>>, %arg5: memref<1000x128xf32, #tpu.memory_space<vmem>>, %arg6: memref<1000x128xf32, #tpu.memory_space<vmem>>) attributes {dimension_semantics = [#tpu.dimension_semantics<arbitrary>], iteration_bounds = array<i64: 10>, scalar_prefetch = 0 : i64, scratch_operands = 0 : i64, tpu.core_type = #tpu.core_type<tc>, window_params = [{transform_indices = @transform_0, window_bounds = array<i64: 1000, 128>}, {pipeline_mode = #tpu.pipeline_mode<synchronous>, transform_indices = @transform_1, window_bounds = array<i64: 128, 128>}, {pipeline_mode = #tpu.pipeline_mode<synchronous>, transform_indices = @transform_2, window_bounds = array<i64: 128, 128>}, {pipeline_mode = #tpu.pipeline_mode<synchronous>, transform_indices = @transform_3, window_bounds = array<i64: 1, 128>}, {transform_indices = @transform_4, window_bounds = array<i64: 1000, 128>}, {transform_indices = @transform_5, window_bounds = array<i64: 1000, 128>}]} {
    %get3A = arith.constant 0 : index
    %get3A_0 = arith.constant 0 : index
    %get3A_1 = vector.load %arg1[%get3A, %get3A_0] : memref<1000x128xf32, #tpu.memory_space<vmem>>, vector<1000x128xf32>
    %get3A_2 = arith.constant 0 : index
    %get3A_3 = arith.constant 0 : index
    %get3A_4 = vector.load %arg2[%get3A_2, %get3A_3] : memref<128x128xf32, #tpu.memory_space<vmem>>, vector<128x128xf32>
    %dot_general3A = arith.constant dense<0.000000e+00> : vector<1000x128xf32>
    %dot_general3A_5 = tpu.matmul %get3A_1, %get3A_4, %dot_general3A {dimension_numbers = #tpu.dot_dimension_numbers<[1], [0], [0], [1], [0, 0, 1, 1], [], []>, transpose_lhs_hint = false} : vector<1000x128xf32>, vector<128x128xf32>, vector<1000x128xf32> -> vector<1000x128xf32>
    %swap3A = arith.constant 0 : index
    %swap3A_6 = arith.constant 0 : index
    %swap3A_7 = vector.load %arg5[%swap3A, %swap3A_6] : memref<1000x128xf32, #tpu.memory_space<vmem>>, vector<1000x128xf32>
    tpu.vector_store %arg5[%swap3A, %swap3A_6], %dot_general3A_5 {strides = array<i32>} : memref<1000x128xf32, #tpu.memory_space<vmem>>, vector<1000x128xf32>,
    %get3A_8 = arith.constant 0 : index
    %get3A_9 = arith.constant 0 : index
    %get3A_10 = vector.load %arg3[%get3A_8, %get3A_9] : memref<128x128xf32, #tpu.memory_space<vmem>>, vector<128x128xf32>
    %dot_general3A_11 = arith.constant dense<0.000000e+00> : vector<1000x128xf32>
    %dot_general3A_12 = tpu.matmul %get3A_1, %get3A_10, %dot_general3A_11 {dimension_numbers = #tpu.dot_dimension_numbers<[1], [0], [0], [1], [0, 0, 1, 1], [], []>, transpose_lhs_hint = false} : vector<1000x128xf32>, vector<128x128xf32>, vector<1000x128xf32> -> vector<1000x128xf32>
    %get3A_13 = arith.constant 0 : index
    %get3A_14 = arith.constant 0 : index
    %get3A_15 = vector.load %arg4[%get3A_13, %get3A_14] : memref<1x128xf32, #tpu.memory_space<vmem>>, vector<1x128xf32>
    %add3A = vector.broadcast %get3A_15 : vector<1x128xf32> to vector<1000x128xf32>
    %add3A_16 = arith.addf %dot_general3A_12, %add3A : vector<1000x128xf32>
    %swap3A_17 = arith.constant 0 : index
    %swap3A_18 = arith.constant 0 : index
    %swap3A_19 = vector.load %arg6[%swap3A_17, %swap3A_18] : memref<1000x128xf32, #tpu.memory_space<vmem>>, vector<1000x128xf32>
    tpu.vector_store %arg6[%swap3A_17, %swap3A_18], %add3A_16 {strides = array<i32>} : memref<1000x128xf32, #tpu.memory_space<vmem>>, vector<1000x128xf32>,
    return
  }
  func.func @transform_0(%arg0: i32) -> (i32, i32) {
    %c0_i32 = arith.constant 0 : i32
    %c0_i32_0 = arith.constant 0 : i32
    return %arg0, %c0_i32 : i32, i32
  }
  func.func @transform_1(%arg0: i32) -> (i32, i32) {
    %c0_i32 = arith.constant 0 : i32
    %c0_i32_0 = arith.constant 0 : i32
    %c0_i32_1 = arith.constant 0 : i32
    return %c0_i32, %c0_i32_0 : i32, i32
  }
  func.func @transform_2(%arg0: i32) -> (i32, i32) {
    %c0_i32 = arith.constant 0 : i32
    %c0_i32_0 = arith.constant 0 : i32
    %c0_i32_1 = arith.constant 0 : i32
    return %c0_i32, %c0_i32_0 : i32, i32
  }
  func.func @transform_3(%arg0: i32) -> (i32, i32) {
    %c0_i32 = arith.constant 0 : i32
    %c0_i32_0 = arith.constant 0 : i32
    %c0_i32_1 = arith.constant 0 : i32
    return %c0_i32, %c0_i32_0 : i32, i32
  }
  func.func @transform_4(%arg0: i32) -> (i32, i32) {
    %c0_i32 = arith.constant 0 : i32
    %c0_i32_0 = arith.constant 0 : i32
    return %arg0, %c0_i32 : i32, i32
  }
  func.func @transform_5(%arg0: i32) -> (i32, i32) {
    %c0_i32 = arith.constant 0 : i32
    %c0_i32_0 = arith.constant 0 : i32
    return %arg0, %c0_i32 : i32, i32
  }
}

module attributes {stable_mosaic.version = 14 : i64} {
  func.func @_mlp_body(%arg0: i32, %arg1: memref<2000x128xf32, #tpu.memory_space<vmem>>, %arg2: memref<2000x128xf32, #tpu.memory_space<vmem>>, %arg3: memref<2000x16xf32, #tpu.memory_space<vmem>>, %arg4: memref<16x128xf32, #tpu.memory_space<vmem>>, %arg5: memref<128x128xf32, #tpu.memory_space<vmem>>, %arg6: memref<1x128xf32, #tpu.memory_space<vmem>>, %arg7: memref<128x128xf32, #tpu.memory_space<vmem>>, %arg8: memref<1x128xf32, #tpu.memory_space<vmem>>, %arg9: memref<128x128xf32, #tpu.memory_space<vmem>>, %arg10: memref<1x128xf32, #tpu.memory_space<vmem>>, %arg11: memref<2000x128xf32, #tpu.memory_space<vmem>>) attributes {dimension_semantics = [#tpu.dimension_semantics<arbitrary>], iteration_bounds = array<i64: 160>, scalar_prefetch = 0 : i64, scratch_operands = 0 : i64, tpu.core_type = #tpu.core_type<tc>, window_params = [{transform_indices = @transform_0, window_bounds = array<i64: 2000, 128>}, {transform_indices = @transform_1, window_bounds = array<i64: 2000, 128>}, {transform_indices = @transform_2, window_bounds = array<i64: 2000, 16>}, {pipeline_mode = #tpu.pipeline_mode<synchronous>, transform_indices = @transform_3, window_bounds = array<i64: 16, 128>}, {pipeline_mode = #tpu.pipeline_mode<synchronous>, transform_indices = @transform_4, window_bounds = array<i64: 128, 128>}, {pipeline_mode = #tpu.pipeline_mode<synchronous>, transform_indices = @transform_5, window_bounds = array<i64: 1, 128>}, {pipeline_mode = #tpu.pipeline_mode<synchronous>, transform_indices = @transform_6, window_bounds = array<i64: 128, 128>}, {pipeline_mode = #tpu.pipeline_mode<synchronous>, transform_indices = @transform_7, window_bounds = array<i64: 1, 128>}, {pipeline_mode = #tpu.pipeline_mode<synchronous>, transform_indices = @transform_8, window_bounds = array<i64: 128, 128>}, {pipeline_mode = #tpu.pipeline_mode<synchronous>, transform_indices = @transform_9, window_bounds = array<i64: 1, 128>}, {transform_indices = @transform_10, window_bounds = array<i64: 2000, 128>}]} {
    %get3A = arith.constant 0 : index
    %get3A_0 = arith.constant 0 : index
    %get3A_1 = vector.load %arg1[%get3A, %get3A_0] : memref<2000x128xf32, #tpu.memory_space<vmem>>, vector<2000x128xf32>
    %get3A_2 = arith.constant 0 : index
    %get3A_3 = arith.constant 0 : index
    %get3A_4 = vector.load %arg2[%get3A_2, %get3A_3] : memref<2000x128xf32, #tpu.memory_space<vmem>>, vector<2000x128xf32>
    %add3A = arith.addf %get3A_1, %get3A_4 : vector<2000x128xf32>
    %get3A_5 = arith.constant 0 : index
    %get3A_6 = arith.constant 0 : index
    %get3A_7 = vector.load %arg3[%get3A_5, %get3A_6] : memref<2000x16xf32, #tpu.memory_space<vmem>>, vector<2000x16xf32>
    %get3A_8 = arith.constant 0 : index
    %get3A_9 = arith.constant 0 : index
    %get3A_10 = vector.load %arg4[%get3A_8, %get3A_9] : memref<16x128xf32, #tpu.memory_space<vmem>>, vector<16x128xf32>
    %dot_general3A = arith.constant dense<0.000000e+00> : vector<2000x128xf32>
    %dot_general3A_11 = tpu.matmul %get3A_7, %get3A_10, %dot_general3A {dimension_numbers = #tpu.dot_dimension_numbers<[1], [0], [0], [1], [0, 0, 1, 1], [], []>, transpose_lhs_hint = false} : vector<2000x16xf32>, vector<16x128xf32>, vector<2000x128xf32> -> vector<2000x128xf32>
    %add3A_12 = arith.addf %add3A, %dot_general3A_11 : vector<2000x128xf32>
    %max3A = arith.constant 0.000000e+00 : f32
    %max3A_13 = vector.broadcast %max3A : f32 to vector<2000x128xf32>
    %max3A_14 = arith.maximumf %add3A_12, %max3A_13 : vector<2000x128xf32>
    %get3A_15 = arith.constant 0 : index
    %get3A_16 = arith.constant 0 : index
    %get3A_17 = vector.load %arg5[%get3A_15, %get3A_16] : memref<128x128xf32, #tpu.memory_space<vmem>>, vector<128x128xf32>
    %dot_general3A_18 = arith.constant dense<0.000000e+00> : vector<2000x128xf32>
    %dot_general3A_19 = tpu.matmul %max3A_14, %get3A_17, %dot_general3A_18 {dimension_numbers = #tpu.dot_dimension_numbers<[1], [0], [0], [1], [0, 0, 1, 1], [], []>, transpose_lhs_hint = false} : vector<2000x128xf32>, vector<128x128xf32>, vector<2000x128xf32> -> vector<2000x128xf32>
    %get3A_20 = arith.constant 0 : index
    %get3A_21 = arith.constant 0 : index
    %get3A_22 = vector.load %arg6[%get3A_20, %get3A_21] : memref<1x128xf32, #tpu.memory_space<vmem>>, vector<1x128xf32>
    %add3A_23 = vector.broadcast %get3A_22 : vector<1x128xf32> to vector<2000x128xf32>
    %add3A_24 = arith.addf %dot_general3A_19, %add3A_23 : vector<2000x128xf32>
    %max3A_25 = arith.constant 0.000000e+00 : f32
    %max3A_26 = vector.broadcast %max3A_25 : f32 to vector<2000x128xf32>
    %max3A_27 = arith.maximumf %add3A_24, %max3A_26 : vector<2000x128xf32>
    %get3A_28 = arith.constant 0 : index
    %get3A_29 = arith.constant 0 : index
    %get3A_30 = vector.load %arg7[%get3A_28, %get3A_29] : memref<128x128xf32, #tpu.memory_space<vmem>>, vector<128x128xf32>
    %dot_general3A_31 = arith.constant dense<0.000000e+00> : vector<2000x128xf32>
    %dot_general3A_32 = tpu.matmul %max3A_27, %get3A_30, %dot_general3A_31 {dimension_numbers = #tpu.dot_dimension_numbers<[1], [0], [0], [1], [0, 0, 1, 1], [], []>, transpose_lhs_hint = false} : vector<2000x128xf32>, vector<128x128xf32>, vector<2000x128xf32> -> vector<2000x128xf32>
    %get3A_33 = arith.constant 0 : index
    %get3A_34 = arith.constant 0 : index
    %get3A_35 = vector.load %arg8[%get3A_33, %get3A_34] : memref<1x128xf32, #tpu.memory_space<vmem>>, vector<1x128xf32>
    %add3A_36 = vector.broadcast %get3A_35 : vector<1x128xf32> to vector<2000x128xf32>
    %add3A_37 = arith.addf %dot_general3A_32, %add3A_36 : vector<2000x128xf32>
    %max3A_38 = arith.constant 0.000000e+00 : f32
    %max3A_39 = vector.broadcast %max3A_38 : f32 to vector<2000x128xf32>
    %max3A_40 = arith.maximumf %add3A_37, %max3A_39 : vector<2000x128xf32>
    %get3A_41 = arith.constant 0 : index
    %get3A_42 = arith.constant 0 : index
    %get3A_43 = vector.load %arg9[%get3A_41, %get3A_42] : memref<128x128xf32, #tpu.memory_space<vmem>>, vector<128x128xf32>
    %dot_general3A_44 = arith.constant dense<0.000000e+00> : vector<2000x128xf32>
    %dot_general3A_45 = tpu.matmul %max3A_40, %get3A_43, %dot_general3A_44 {dimension_numbers = #tpu.dot_dimension_numbers<[1], [0], [0], [1], [0, 0, 1, 1], [], []>, transpose_lhs_hint = false} : vector<2000x128xf32>, vector<128x128xf32>, vector<2000x128xf32> -> vector<2000x128xf32>
    %get3A_46 = arith.constant 0 : index
    %get3A_47 = arith.constant 0 : index
    %get3A_48 = vector.load %arg10[%get3A_46, %get3A_47] : memref<1x128xf32, #tpu.memory_space<vmem>>, vector<1x128xf32>
    %add3A_49 = vector.broadcast %get3A_48 : vector<1x128xf32> to vector<2000x128xf32>
    %add3A_50 = arith.addf %dot_general3A_45, %add3A_49 : vector<2000x128xf32>
    %swap3A = arith.constant 0 : index
    %swap3A_51 = arith.constant 0 : index
    %swap3A_52 = vector.load %arg11[%swap3A, %swap3A_51] : memref<2000x128xf32, #tpu.memory_space<vmem>>, vector<2000x128xf32>
    tpu.vector_store %arg11[%swap3A, %swap3A_51], %add3A_50 {strides = array<i32>} : memref<2000x128xf32, #tpu.memory_space<vmem>>, vector<2000x128xf32>,
    return
  }
  func.func @transform_0(%arg0: i32) -> (i32, i32) {
    %c0_i32 = arith.constant 0 : i32
    %c0_i32_0 = arith.constant 0 : i32
    return %arg0, %c0_i32 : i32, i32
  }
  func.func @transform_1(%arg0: i32) -> (i32, i32) {
    %c0_i32 = arith.constant 0 : i32
    %c0_i32_0 = arith.constant 0 : i32
    return %arg0, %c0_i32 : i32, i32
  }
  func.func @transform_2(%arg0: i32) -> (i32, i32) {
    %c0_i32 = arith.constant 0 : i32
    %c0_i32_0 = arith.constant 0 : i32
    return %arg0, %c0_i32 : i32, i32
  }
  func.func @transform_3(%arg0: i32) -> (i32, i32) {
    %c0_i32 = arith.constant 0 : i32
    %c0_i32_0 = arith.constant 0 : i32
    %c0_i32_1 = arith.constant 0 : i32
    return %c0_i32, %c0_i32_0 : i32, i32
  }
  func.func @transform_4(%arg0: i32) -> (i32, i32) {
    %c0_i32 = arith.constant 0 : i32
    %c0_i32_0 = arith.constant 0 : i32
    %c0_i32_1 = arith.constant 0 : i32
    return %c0_i32, %c0_i32_0 : i32, i32
  }
  func.func @transform_5(%arg0: i32) -> (i32, i32) {
    %c0_i32 = arith.constant 0 : i32
    %c0_i32_0 = arith.constant 0 : i32
    %c0_i32_1 = arith.constant 0 : i32
    return %c0_i32, %c0_i32_0 : i32, i32
  }
  func.func @transform_6(%arg0: i32) -> (i32, i32) {
    %c0_i32 = arith.constant 0 : i32
    %c0_i32_0 = arith.constant 0 : i32
    %c0_i32_1 = arith.constant 0 : i32
    return %c0_i32, %c0_i32_0 : i32, i32
  }
  func.func @transform_7(%arg0: i32) -> (i32, i32) {
    %c0_i32 = arith.constant 0 : i32
    %c0_i32_0 = arith.constant 0 : i32
    %c0_i32_1 = arith.constant 0 : i32
    return %c0_i32, %c0_i32_0 : i32, i32
  }
  func.func @transform_8(%arg0: i32) -> (i32, i32) {
    %c0_i32 = arith.constant 0 : i32
    %c0_i32_0 = arith.constant 0 : i32
    %c0_i32_1 = arith.constant 0 : i32
    return %c0_i32, %c0_i32_0 : i32, i32
  }
  func.func @transform_9(%arg0: i32) -> (i32, i32) {
    %c0_i32 = arith.constant 0 : i32
    %c0_i32_0 = arith.constant 0 : i32
    %c0_i32_1 = arith.constant 0 : i32
    return %c0_i32, %c0_i32_0 : i32, i32
  }
  func.func @transform_10(%arg0: i32) -> (i32, i32) {
    %c0_i32 = arith.constant 0 : i32
    %c0_i32_0 = arith.constant 0 : i32
    return %arg0, %c0_i32 : i32, i32
  }
}

module attributes {stable_mosaic.version = 14 : i64} {
  func.func @_sum_body(%arg0: i32, %arg1: memref<2x1000x128xf32, #tpu.memory_space<vmem>>, %arg2: memref<1000x128xf32, #tpu.memory_space<vmem>>) attributes {dimension_semantics = [#tpu.dimension_semantics<arbitrary>], iteration_bounds = array<i64: 10>, scalar_prefetch = 0 : i64, scratch_operands = 0 : i64, tpu.core_type = #tpu.core_type<tc>, window_params = [{transform_indices = @transform_0, window_bounds = array<i64: 2, 1000, 128>}, {transform_indices = @transform_1, window_bounds = array<i64: 1000, 128>}]} {
    %get3A = arith.constant 0 : index
    %get3A_0 = arith.constant 0 : index
    %get3A_1 = arith.constant 0 : index
    %get3A_2 = vector.load %arg1[%get3A, %get3A_0, %get3A_1] : memref<2x1000x128xf32, #tpu.memory_space<vmem>>, vector<1x1000x128xf32>
    %get3A_3 = vector.shape_cast %get3A_2 : vector<1x1000x128xf32> to vector<1000x128xf32>
    %get3A_4 = arith.constant 1 : index
    %get3A_5 = arith.constant 0 : index
    %get3A_6 = arith.constant 0 : index
    %get3A_7 = vector.load %arg1[%get3A_4, %get3A_5, %get3A_6] : memref<2x1000x128xf32, #tpu.memory_space<vmem>>, vector<1x1000x128xf32>
    %get3A_8 = vector.shape_cast %get3A_7 : vector<1x1000x128xf32> to vector<1000x128xf32>
    %add3A = arith.addf %get3A_3, %get3A_8 : vector<1000x128xf32>
    %swap3A = arith.constant 0 : index
    %swap3A_9 = arith.constant 0 : index
    %swap3A_10 = vector.load %arg2[%swap3A, %swap3A_9] : memref<1000x128xf32, #tpu.memory_space<vmem>>, vector<1000x128xf32>
    tpu.vector_store %arg2[%swap3A, %swap3A_9], %add3A {strides = array<i32>} : memref<1000x128xf32, #tpu.memory_space<vmem>>, vector<1000x128xf32>,
    return
  }
  func.func @transform_0(%arg0: i32) -> (i32, i32, i32) {
    %c0_i32 = arith.constant 0 : i32
    %c0_i32_0 = arith.constant 0 : i32
    %c0_i32_1 = arith.constant 0 : i32
    return %c0_i32, %arg0, %c0_i32_0 : i32, i32, i32
  }
  func.func @transform_1(%arg0: i32) -> (i32, i32) {
    %c0_i32 = arith.constant 0 : i32
    %c0_i32_0 = arith.constant 0 : i32
    return %arg0, %c0_i32 : i32, i32
  }
}

</mosaic_0001>

<sc_bundles>
// kernel: kernel.10.cloned.1.call-start
scs
__scs_entry_jumppad:
0x0: {  	(pc) =	sbr.rel $0x88, $3  }
0x1: {  	(tag) =	ssettag $0x0;
	lr =	simm.s32 $0x1  }
0x2: {  	[smem:$0x3F96] =	sst lr;
	_ =	strace $0xD0000000  }
0x3: {  	_ = 	snop  }
0x4: {  	_ = 	snop  }
0x5: {  	_ = 	snop  }
0x6: {  	_ = 	snop  }
0x7: {  	_ = 	snop  }
__scs_overlays_trampoline_lowered:
0x8: {  	[smem:$0x3FA5] =	sst s0  }
0x9: {  	[smem:$0x3FA6] =	sst s1  }
0xa: {  	[smem:$0x3FA7] =	sst s2  }
0xb: {  	[smem:$0x3FA8] =	sst s3  }
0xc: {  	[smem:$0x3FA9] =	sst s4  }
0xd: {  	[smem:$0x3FAA] =	sst s5  }
0xe: {  	[smem:$0x3FAB] =	sst s6  }
0xf: {  	[smem:$0x3FAC] =	sst s7  }
0x10: {  	[smem:$0x3FAD] =	sst s8  }
0x11: {  	[smem:$0x3FAE] =	sst s9;
	s0 =	simm.s32 @!p0 $0x0  }
0x12: {  	s1 =	sld [smem:$0x3F94];
	s0 =	simm.s32 @p0 $0x1  }
0x13: {  	[smem:$0x3FAF] =	sst s0;
	s0 =	simm.s32 @!p1 $0x0  }
0x14: {  	s2 =	sld [smem:$0x3F93];
	s0 =	simm.s32 @p1 $0x1  }
0x15: {  	[smem:$0x3FB0] =	sst s0;
	s0 =	simm.s32 @!p2 $0x0  }
0x16: {  	s3 =	sld [smem:$0x3FDB];
	s0 =	simm.s32 @p2 $0x1  }
0x17: {  	s4 =	simm.s32 $0x1BF5;
	[smem:$0x3FB2] =	sst s0  }
0x18: {  	s0 =	sld [smem:$0x3F95];
	_ =	swait.ge [sflag:s4], $0x0  }
0x19: {  	s7 =	sld [smem:$0x3F96]  }
0x1a: {  	s8 =	sadd.s32 $0xFFFFE003, lr  }
0x1b: {  	s9 =	sadd.s32 $0xFFFFFEF7, lr;
	s5 =	simm.s32 $0xFFFFFFFF;
	p2 =	slt.u32 s8, $0xFFFFF086  }
0x1c: {  	p1 =	slt.u32 s9, $0xF7A;
	s5 =	simm.s32 @!p2 $0x0  }
0x1d: {  	s5 =	simm.s32 @p1 $0x1;
	p0 =	seq.s32 s7, s2  }
0x1e: {  	s7 =	smul.u32 @!p0 $0xF7A, s2;
	p2 =	seq.s32 @!p0 s5, $0x0  }
0x1f: {  	s9 =	smul.u32 $0xF7A, s1;
	s8 =	simm.s32 @!p0 $0x1BF5;
	p2 =	por !p2, p0  }
0x20: {  	[sflag:s8] =	ssyncset.s32 @!p0 $0xFFFFF086;
	s6 =	sadd.s32 @!p0 s3, s7;
	s7 =	simm.s32 @!p0 $0x108  }
0x21: {  	s3 =	sadd.s32 s3, s9;
	s6 =	sadd.s32 @!p0 $0x88, s6;
	s7 =	simm.s32 @p2 $0x1082  }
0x22: {  	[simem:s7], [sflag:s8] =	dma.local @!p0 [hbm:s6], $0xF7A  }
0x23: {  	s9 =	sor.u32 $0xD0000000, s2;
	s6 =	simm.s32 $0x108;
	_ =	swait.ge @!p0 [sflag:s8], $0x0  }
0x24: {  	s3 =	sadd.s32 $0x88, s3;
	s6 =	simm.s32 @!p1 $0x1082;
	[sflag:s4] =	ssyncset.s32 $0xFFFFF086  }
0x25: {  	[simem:s6], [sflag:s4] =	dma.local [hbm:s3], $0xF7A  }
0x26: {  	[smem:$0x3F96] =	sst s1;
	(tag) =	ssettag s2;
	_ =	strace s9  }
0x27: {  	s1 =	sld [smem:$0x3FA6]  }
0x28: {  	s2 =	sld [smem:$0x3FA7]  }
0x29: {  	s4 =	sld [smem:$0x3FA9]  }
0x2a: {  	p0 =	seq.s32 s5, $0x0;
	s5 =	sld [smem:$0x3FAA]  }
0x2b: {  	s6 =	sld [smem:$0x3FAB]  }
0x2c: {  	s7 =	sld [smem:$0x3FAC]  }
0x2d: {  	s3 =	simm.s32 $0x108;
	s8 =	sld [smem:$0x3FAD]  }
0x2e: {  	s3 =	simm.s32 @!p0 $0x1082;
	s9 =	sld [smem:$0x3FAE]  }
0x2f: {  	lr =	sadd.s32 s0, s3;
	s0 =	sld [smem:$0x3FA5]  }
0x30: {  	s3 =	sld [smem:$0x3FA8]  }
0x31: {  	[smem:$0x3FB1] =	sst s10  }
0x32: {  	s10 =	sld [smem:$0x3FAF];
	_ =	sdelay $0x3  }
0x33: {  	p0 =	seq.s32 s10, $0x1;
	s10 =	sld [smem:$0x3FB1];
	_ =	sdelay $0x3  }
0x34: {  	[smem:$0x3FB1] =	sst s10  }
0x35: {  	s10 =	sld [smem:$0x3FB0];
	_ =	sdelay $0x3  }
0x36: {  	p1 =	seq.s32 s10, $0x1;
	s10 =	sld [smem:$0x3FB1];
	_ =	sdelay $0x3  }
0x37: {  	[smem:$0x3FB1] =	sst s10  }
0x38: {  	s10 =	sld [smem:$0x3FB2]  }
0x39: {  	_ = 	snop;
	(pc) =	sbr.ind lr, $3  }
0x3a: {  	_ = 	snop  }
0x3b: {  	_ = 	snop  }
0x3c: {  	p2 =	seq.s32 s10, $0x1;
	s10 =	sld [smem:$0x3FB1]  }
0x3d: {  	_ =	shalt  }
0x3e: {  	_ =	shalt  }
0x3f: {  	_ =	shalt  }
0x40: {  	_ =	shalt  }
0x41: {  	_ =	shalt  }
0x42: {  	_ =	shalt  }
0x43: {  	_ =	shalt  }
0x44: {  	_ =	shalt  }
0x45: {  	_ =	shalt  }
0x46: {  	_ =	shalt  }
0x47: {  	_ =	shalt  }
0x48: {  	_ =	shalt  }
0x49: {  	_ =	shalt  }
0x4a: {  	_ =	shalt  }
0x4b: {  	_ =	shalt  }
0x4c: {  	_ =	shalt  }
0x4d: {  	_ =	shalt  }
0x4e: {  	_ =	shalt  }
0x4f: {  	_ =	shalt  }
0x50: {  	_ =	shalt  }
0x51: {  	_ =	shalt  }
0x52: {  	_ =	shalt  }
0x53: {  	_ =	shalt  }
0x54: {  	_ =	shalt  }
0x55: {  	_ =	shalt  }
0x56: {  	_ =	shalt  }
0x57: {  	_ =	shalt  }
0x58: {  	_ =	shalt  }
0x59: {  	_ =	shalt  }
0x5a: {  	_ =	shalt  }
0x5b: {  	_ =	shalt  }
0x5c: {  	_ =	shalt  }
0x5d: {  	_ =	shalt  }
0x5e: {  	_ =	shalt  }
0x5f: {  	_ =	shalt  }
0x60: {  	_ =	shalt  }
0x61: {  	_ =	shalt  }
0x62: {  	_ =	shalt  }
0x63: {  	_ =	shalt  }
0x64: {  	_ =	shalt  }
0x65: {  	_ =	shalt  }
0x66: {  	_ =	shalt  }
0x67: {  	_ =	shalt  }
0x68: {  	_ =	shalt  }
0x69: {  	_ =	shalt  }
0x6a: {  	_ =	shalt  }
0x6b: {  	_ =	shalt  }
0x6c: {  	_ =	shalt  }
0x6d: {  	_ =	shalt  }
0x6e: {  	_ =	shalt  }
0x6f: {  	_ =	shalt  }
0x70: {  	_ =	shalt  }
0x71: {  	_ =	shalt  }
0x72: {  	_ =	shalt  }
0x73: {  	_ =	shalt  }
0x74: {  	_ =	shalt  }
0x75: {  	_ =	shalt  }
0x76: {  	_ =	shalt  }
0x77: {  	_ =	shalt  }
0x78: {  	_ =	shalt  }
0x79: {  	_ =	shalt  }
0x7a: {  	_ =	shalt  }
0x7b: {  	_ =	shalt  }
0x7c: {  	_ =	shalt  }
0x7d: {  	_ =	shalt  }
0x7e: {  	_ =	shalt  }
0x7f: {  	_ =	shalt  }
0x80: {  	_ =	shalt  }
0x81: {  	_ =	shalt  }
0x82: {  	_ =	shalt  }
0x83: {  	_ =	shalt  }
0x84: {  	_ =	shalt  }
0x85: {  	_ =	shalt  }
0x86: {  	_ =	shalt  }
0x87: {  	_ =	shalt  }
.Lfunc_end0:
.L_simem_size_0:
called_computation.1_lowered:
.L_overlay_start_0:
0x88: {  	s2 =	sld [smem:$0x3FD9]  }
0x89: {  	s3 =	sld [smem:$0x3FFE];
	_ =	sdelay $0x1  }
0x8a: {  	s1 =	srdreg.scid  }
0x8b: {  	s0 =	sand.u32 $0x1, s1  }
0x8c: {  	s14 =	sshll.u32 s0, $0xA;
	s2 =	sadd.s32 s3, s2  }
0x8d: {  	s2 =	sadd.s32 s2, s14  }
0x8e: {  	[smem:$0x3FBD] =	sst s2  }
0x8f: {  	_ = 	snop  }
0x90: {  	s2 =	sld [smem:$0x3FD0];
	_ =	sdelay $0x2  }
0x91: {  	s15 =	simm.s32 $0xA;
	s4 =	simm.s32 $0x10  }
0x92: {  	[smem:s4], [sflag:s15] =	dma.local [hbm:s2], $0x1  }
0x93: {  	_ =	swait.eq [sflag:s15], $0x1  }
0x94: {  	[sflag:s15] =	ssyncset.done $0x0  }
0x95: {  	[sflag:s15] =	ssyncadd.s32 $0xFFFFFFFF  }
0x96: {  	s16 =	sld [smem:$0x11];
	(tm) =	ssettm $0x1  }
0x97: {  	s17 =	sld [smem:$0x3FFB];
	_ =	sdelay $0x3  }
0x98: {  	_ =	strace s17  }
0x99: {  	s3 =	sld [smem:$0x3FFC];
	_ =	sdelay $0x3  }
0x9a: {  	_ =	strace s3  }
0x9b: {  	s3 =	sld [smem:$0x3FFD];
	_ =	sdelay $0x3  }
0x9c: {  	_ =	strace s3  }
0x9d: {  	_ =	strace $0x8FFFFFFF  }
0x9e: {  	s18 =	sld [smem:$0x3FDB];
	_ =	sdelay $0x1  }
0x9f: {  	s19 =	simm.s32 $_scs_section_size  }
0xa0: {  	s5 =	simm.s32 $_size__tile_overlayer_lowered;
	s6 =	simm.s32 $_tile_overlayer_lowered  }
0xa1: {  	s22 =	simm.s32 $0x1BFF;
	s21 =	sshll.u32 s6, $0x1;
	s3 =	sadd.s32 s19, s18  }
0xa2: {  	s7 =	simm.s32 $0x0;
	s20 =	sshll.u32 s5, $0x1;
	s5 =	sadd.s32 s21, s3  }
0xa3: {  	[timem:s7], [sflag:s22] =	dma.local [hbm:s5], s20  }
0xa4: {  	_ =	swait.ge [sflag:s22], s20  }
0xa5: {  	s4 =	ssub.s32 $0x0, s20;
	[sflag:s22] =	ssyncset.done $0x0  }
0xa6: {  	[sflag:s22] =	ssyncadd.s32 s4;
	_ =	sdelay $0x1  }
0xa7: {  	s23 =	simm.s32 $0x1B8B  }
0xa8: {  	_ =	swait.ge [sflag:s23], $0x1  }
0xa9: {  	[sflag:s23] =	ssyncset.done $0x0  }
0xaa: {  	s25 =	simm.s32 $0x1B8E;
	s24 =	sld [smem:$0x3FFE];
	[sflag:s23] =	ssyncadd.s32 $0xFFFFFFFF  }
0xab: {  	s26 =	simm.s32 $execute0_lowered;
	[smem:$0x3FD2] =	sst s25  }
0xac: {  	s5 =	sshll.u32 s26, $0x1;
	_ =	strace $0x80000049;
	[dreg:$0x1] =	wrdreg $0xFFFFFFFF  }
0xad: {  	s28 =	simm.s32 $_size_execute0_lowered;
	s3 =	sadd.s32 s3, s5;
	[dreg:$0x0] =	wrdreg $0x0  }
0xae: {  	s5 =	sshll.u32 s28, $0x1;
	[dreg:$0x2] =	wrdreg s3  }
0xaf: {  	[dreg:$0x3] =	wrdreg s5  }
0xb0: {  	[dreg:$0x4] =	wrdreg $0xC0  }
0xb1: {  	_ =	task [dreg:s7], $0x5FFFF  }
0xb2: {  	[dreg:$0x1] =	wrdreg $0xFFFFFFFF  }
0xb3: {  	[dreg:$0x0] =	wrdreg $0x60  }
0xb4: {  	[dreg:$0x2] =	wrdreg s16  }
0xb5: {  	[dreg:$0x3] =	wrdreg s24  }
0xb6: {  	[dreg:$0x4] =	wrdreg $0x68000  }
0xb7: {  	[dreg:$0x5] =	wrdreg $0x9  }
0xb8: {  	_ =	task.clear_ibuf [dreg:s7], $0x6FFFF;
	_ =	strace $0x90000049  }
0xb9: {  	s29 =	simm.s32 $0x9;
	_ =	strace $0x8000004B  }
0xba: {  	_ =	swait.ge [sflag:s29], $0x1  }
0xbb: {  	[sflag:s29] =	ssyncadd.s32 $0xFFFFFFFF  }
0xbc: {  	_ =	strace $0x9000004B  }
0xbd: {  	_ =	sfence  }
0xbe: {  	s30 =	sld [smem:$0x0];
	_ =	sdelay $0x2  }
0xbf: {  	s31 =	sshll.u32 s1, $0xD;
	s1 =	sshrl.u32 s1, $0x2  }
0xc0: {  	s3 =	sand.u32 $0x4000, s31;
	s1 =	sadd.s32 s1, s30  }
0xc1: {  	s0 =	sor.u32 s3, s0;
	s1 =	sshll.u32 s1, $0x11  }
0xc2: {  	s0 =	sor.u32 s1, s0  }
0xc3: {  	s0 =	sadd.s32 $0x8F2B, s0  }
0xc4: {  	[sflag:s0] =	ssyncadd.remote.s32 $0x1  }
0xc5: {  	_ =	sfence.sel $0xFFFF  }
0xc6: {  	[dreg:$0x0] =	wrdreg $0xFFFFFFFF;
	(pc) =	sbr.abs _section_cstart, $3  }
0xc7: {  	[dreg:$0x1] =	wrdreg $0xFFFFFFFF  }
0xc8: {  	_ =	task.clear_ibuf [dreg:s7], $0x2FFFF;
	_ =	strace $0x9FFFFFFF  }
0xc9: {  	(tm) =	ssettm $0x7FFFFFFF  }
tec
execute0_lowered:
.L_overlay_start_1:
0x0: {  	(tag) =	ssettag $0x1  }
0x1: {  	s9 =	rddreg [dreg:$0x0]  }
0x2: {  	s4 =	rddreg [dreg:$0x1]  }
0x3: {  	s1 =	rddreg [dreg:$0x2]  }
0x4: {  	s0 =	rddreg [dreg:$0x3];
	s3 =	simm.s32 $0x0;
	s2 =	stileid.u32  }
0x5: {  	s5 =	srdreg.scid;
	s14 =	simm.s32 $0x0;
	s8 =	smul.u32 $0x14000, s2  }
0x6: {  	[smem:$0x7FF] =	sst s3;
	s7 =	sand.u32 $0x1, s5;
	s11 =	smul.u32 $0x50000, s2  }
0x7: {  	s24 =	sshll.u32 s2, $0xC;
	s29 =	sshll.u32 s2, $0x6;
	s30 =	smul.u32 $0x4E200, s2  }
0x8: {  	s6 =	sshll.u32 s7, $0xB;
	_ =	strace $0x8000004A;
	s25 =	smul.u32 $0x140000, s7  }
0x9: {  	s28 =	ssub.s32 $0x2, s7;
	s31 =	smul.u32 $0x27100, s7;
	s5 =	sor.u32 s6, s24  }
0xa: {  	s26 =	sshrl.u32 s8, $0x3;
	s12 =	sshrl.u32 s28, $0x1;
	s11 =	sshrl.u32 s11, $0x2  }
0xb: {  	s9 =	sadd.s32 s30, s9;
	s10 =	sadd.s32 s5, s4;
	s5 =	sadd.s32 s26, s4  }
0xc: {  	s6 =	sadd.s32 s8, s25;
	s8 =	ssub.s32 s28, s12;
	s11 =	sadd.s32 s11, s1  }
0xd: {  	s9 =	sadd.s32 s31, s9;
	s12 =	simm.s32 $0x4000;
	s6 =	sshrl.u32 s6, $0x3  }
0xe: {  	s8 =	smax.u32 s8, $0x1;
	s13 =	sadd.s32 s6, s4;
	s4 =	sadd.s32 $0x13200, s5  }
0xf: {  	s5 =	sor.u32 $0x1C01, s29;
	s6 =	sadd.s32 $0x3200, s10;
	s10 =	sshrl.u32 s11, $0x3  }
0x10: {  	s11 =	simm.s32 $0x1;
	s7 =	sadd.s32 $0x3B200, s13;
	s13 =	simm.s32 $0x50  }
.LBB2_1:
0x11: {  	[spmem:s10], [sflag:s5] =	dma.local [hbm:s4], $0x2800  }
0x12: {  	_ =	swait.ge [sflag:s11], $0x2800  }
0x13: {  	[sflag:s11] =	ssyncset.done $0x0  }
0x14: {  	[sflag:s11] =	ssyncadd.s32 $0xFFFFD800  }
0x15: {  	[tilespmem:s3], [sflag:$0x1] =	stream.linear.gather [hbm4b:s6+s3], $0x3E80, $0x38;
	[tilespmem:$0x1A800] =	vst v63  }
0x16: {  	_ =	swait.ge [sflag:s11], $0x3E80  }
0x17: {  	[sflag:s11] =	ssyncset.done $0x0  }
0x18: {  	[sflag:s11] =	ssyncadd.s32 $0xFFFFC180  }
0x19: {  	[bflag:$0x0] =	sbarrier.arrive $0xFFFF  }
0x1a: {  	[tilespmem:s12], [sflag:$0x1] =	stream.linear.gather [hbm4b:s9+s3], $0x2800, $0x38;
	[tilespmem:$0x1A800] =	vst v63  }
0x1b: {  	_ =	swait.ge [sflag:s11], $0x2800  }
0x1c: {  	[sflag:s11] =	ssyncset.done $0x0  }
0x1d: {  	s15 =	simm.s32 $0x0;
	[sflag:s11] =	ssyncadd.s32 $0xFFFFD800  }
0x1e: {  	[spmem:s1] =	stream.indirect.scatter.add.f32 [tilespmem:s12], [sflag:$0x1], $0x80, s15, s13, $0xb8;
	[tilespmem:$0x1A800] =	vst v63  }
0x1f: {  	_ =	swait.ge [sflag:s11], $0x2800  }
0x20: {  	s16 =	smov.u32 s9;
	s15 =	simm.s32 $0x200;
	[sflag:s11] =	ssyncset.done $0x0  }
.LBB2_2:
0x21: {  	p0 =	sne.s32 s15, $0xF800;
	[sflag:s11] =	ssyncadd.s32 $0xFFFFD800;
	s16 =	sadd.s32 $0x500, s16  }
0x22: {  	[tilespmem:s12], [sflag:$0x1] =	stream.linear.gather [hbm4b:s16+s3], $0x2800, $0x38;
	[tilespmem:$0x1A800] =	vst v63  }
0x23: {  	s17 =	smov.u32 s15;
	s15 =	sadd.s32 $0x200, s15;
	_ =	swait.ge [sflag:s11], $0x2800  }
.Ltmp0:
0x24: {  	[sflag:s11] =	ssyncset.done $0x0;
	(pc) =	sbr.rel @p0 .LBB2_2-.Ltmp0, $4  }
0x25: {  	s17 =	sshra.s32 s17, $0x2;
	[sflag:s11] =	ssyncadd.s32 $0xFFFFD800  }
0x26: {  	[spmem:s1] =	stream.indirect.scatter.add.f32 [tilespmem:s12], [sflag:$0x1], $0x80, s17, s13, $0xb8;
	[tilespmem:$0x1A800] =	vst v63  }
0x27: {  	_ =	swait.ge [sflag:s11], $0x2800  }
0x28: {  	[sflag:s11] =	ssyncset.done $0x0  }
0x29: {  	s14 =	sadd.s32 $0x1, s14  }
0x2a: {  	[sflag:s11] =	ssyncadd.s32 $0xFFFFD800;
	p0 =	sne.s32 s14, s8  }
.Ltmp1:
0x2b: {  	[bflag:$0x0] =	sbarrier.arrive $0xFFFF;
	(pc) =	sbr.rel @p0 .LBB2_1-.Ltmp1, $4  }
0x2c: {  	[hbm:s7], [sflag:s5] =	dma.local [spmem:s10], $0x2800  }
0x2d: {  	_ =	swait.ge [sflag:s11], $0x2800  }
0x2e: {  	[sflag:s11] =	ssyncset.done $0x0  }
0x2f: {  	[sflag:s11] =	ssyncadd.s32 $0xFFFFD800  }
0x30: {  	_ =	sfence.sel $0x180000  }
0x31: {  	[bflag:$0x0] =	sbarrier.arrive $0xFFFF  }
0x32: {  	p0 =	sne.s32 s2, $0x0;
	_ =	strace $0x9000004A  }
0x33: {  	s0 =	sadd.s32 @!p0 $0x100000, s0;
	[bflag:$0x2] =	sbarrier.arrive $0xFFFF  }
0x34: {  	[sflag:s0] =	ssyncadd.tile.s32 @!p0 $0x1;
	_ =	shalt  }
.Lfunc_end2:
_tile_overlayer_lowered:
.L_overlay_start_2:
0x35: {  	(tag) =	ssettag $0x2  }
0x36: {  	s0 =	rddreg [dreg:$0x0];
	s2 =	stileid.u32  }
0x37: {  	s1 =	rddreg [dreg:$0x1];
	p0 =	sne.s32 s2, $0x0  }
0x38: {  	s3 =	rddreg [dreg:$0x2];
	[bflag:$0x3] =	sbarrier.arrive $0xFFFF;
	s2 =	simm.s32 @!p0 $0x1C01  }
0x39: {  	[timem:s3], [sflag:s2] =	dma.local @!p0 [hbm:s0], s1  }
0x3a: {  	s0 =	simm.s32 @!p0 $0x1  }
0x3b: {  	_ =	swait.ge @!p0 [sflag:s0], s1  }
0x3c: {  	s1 =	ssub.s32 @!p0 $0x0, s1;
	[sflag:s0] =	ssyncset.done @!p0 $0x0  }
0x3d: {  	[sflag:s0] =	ssyncadd.s32 @!p0 s1  }
0x3e: {  	[bflag:$0x3] =	sbarrier.arrive $0xFFFF  }
0x3f: {  	_ =	shalt  }

// kernel: kernel.7.cloned.1.call-start
scs
__scs_entry_jumppad:
0x0: {  	(pc) =	sbr.rel $0x88, $3  }
0x1: {  	(tag) =	ssettag $0x0;
	lr =	simm.s32 $0x1  }
0x2: {  	[smem:$0x3F96] =	sst lr;
	_ =	strace $0xD0000000  }
0x3: {  	_ = 	snop  }
0x4: {  	_ = 	snop  }
0x5: {  	_ = 	snop  }
0x6: {  	_ = 	snop  }
0x7: {  	_ = 	snop  }
__scs_overlays_trampoline_lowered:
0x8: {  	[smem:$0x3FA5] =	sst s0  }
0x9: {  	[smem:$0x3FA6] =	sst s1  }
0xa: {  	[smem:$0x3FA7] =	sst s2  }
0xb: {  	[smem:$0x3FA8] =	sst s3  }
0xc: {  	[smem:$0x3FA9] =	sst s4  }
0xd: {  	[smem:$0x3FAA] =	sst s5  }
0xe: {  	[smem:$0x3FAB] =	sst s6  }
0xf: {  	[smem:$0x3FAC] =	sst s7  }
0x10: {  	[smem:$0x3FAD] =	sst s8  }
0x11: {  	[smem:$0x3FAE] =	sst s9;
	s0 =	simm.s32 @!p0 $0x0  }
0x12: {  	s1 =	sld [smem:$0x3F94];
	s0 =	simm.s32 @p0 $0x1  }
0x13: {  	[smem:$0x3FAF] =	sst s0;
	s0 =	simm.s32 @!p1 $0x0  }
0x14: {  	s2 =	sld [smem:$0x3F93];
	s0 =	simm.s32 @p1 $0x1  }
0x15: {  	[smem:$0x3FB0] =	sst s0;
	s0 =	simm.s32 @!p2 $0x0  }
0x16: {  	s3 =	sld [smem:$0x3FDB];
	s0 =	simm.s32 @p2 $0x1  }
0x17: {  	s4 =	simm.s32 $0x1BF5;
	[smem:$0x3FB2] =	sst s0  }
0x18: {  	s0 =	sld [smem:$0x3F95];
	_ =	swait.ge [sflag:s4], $0x0  }
0x19: {  	s7 =	sld [smem:$0x3F96]  }
0x1a: {  	s8 =	sadd.s32 $0xFFFFE003, lr  }
0x1b: {  	s9 =	sadd.s32 $0xFFFFFEF7, lr;
	s5 =	simm.s32 $0xFFFFFFFF;
	p2 =	slt.u32 s8, $0xFFFFF086  }
0x1c: {  	p1 =	slt.u32 s9, $0xF7A;
	s5 =	simm.s32 @!p2 $0x0  }
0x1d: {  	s5 =	simm.s32 @p1 $0x1;
	p0 =	seq.s32 s7, s2  }
0x1e: {  	s7 =	smul.u32 @!p0 $0xF7A, s2;
	p2 =	seq.s32 @!p0 s5, $0x0  }
0x1f: {  	s9 =	smul.u32 $0xF7A, s1;
	s8 =	simm.s32 @!p0 $0x1BF5;
	p2 =	por !p2, p0  }
0x20: {  	[sflag:s8] =	ssyncset.s32 @!p0 $0xFFFFF086;
	s6 =	sadd.s32 @!p0 s3, s7;
	s7 =	simm.s32 @!p0 $0x108  }
0x21: {  	s3 =	sadd.s32 s3, s9;
	s6 =	sadd.s32 @!p0 $0x88, s6;
	s7 =	simm.s32 @p2 $0x1082  }
0x22: {  	[simem:s7], [sflag:s8] =	dma.local @!p0 [hbm:s6], $0xF7A  }
0x23: {  	s9 =	sor.u32 $0xD0000000, s2;
	s6 =	simm.s32 $0x108;
	_ =	swait.ge @!p0 [sflag:s8], $0x0  }
0x24: {  	s3 =	sadd.s32 $0x88, s3;
	s6 =	simm.s32 @!p1 $0x1082;
	[sflag:s4] =	ssyncset.s32 $0xFFFFF086  }
0x25: {  	[simem:s6], [sflag:s4] =	dma.local [hbm:s3], $0xF7A  }
0x26: {  	[smem:$0x3F96] =	sst s1;
	(tag) =	ssettag s2;
	_ =	strace s9  }
0x27: {  	s1 =	sld [smem:$0x3FA6]  }
0x28: {  	s2 =	sld [smem:$0x3FA7]  }
0x29: {  	s4 =	sld [smem:$0x3FA9]  }
0x2a: {  	p0 =	seq.s32 s5, $0x0;
	s5 =	sld [smem:$0x3FAA]  }
0x2b: {  	s6 =	sld [smem:$0x3FAB]  }
0x2c: {  	s7 =	sld [smem:$0x3FAC]  }
0x2d: {  	s3 =	simm.s32 $0x108;
	s8 =	sld [smem:$0x3FAD]  }
0x2e: {  	s3 =	simm.s32 @!p0 $0x1082;
	s9 =	sld [smem:$0x3FAE]  }
0x2f: {  	lr =	sadd.s32 s0, s3;
	s0 =	sld [smem:$0x3FA5]  }
0x30: {  	s3 =	sld [smem:$0x3FA8]  }
0x31: {  	[smem:$0x3FB1] =	sst s10  }
0x32: {  	s10 =	sld [smem:$0x3FAF];
	_ =	sdelay $0x3  }
0x33: {  	p0 =	seq.s32 s10, $0x1;
	s10 =	sld [smem:$0x3FB1];
	_ =	sdelay $0x3  }
0x34: {  	[smem:$0x3FB1] =	sst s10  }
0x35: {  	s10 =	sld [smem:$0x3FB0];
	_ =	sdelay $0x3  }
0x36: {  	p1 =	seq.s32 s10, $0x1;
	s10 =	sld [smem:$0x3FB1];
	_ =	sdelay $0x3  }
0x37: {  	[smem:$0x3FB1] =	sst s10  }
0x38: {  	s10 =	sld [smem:$0x3FB2]  }
0x39: {  	_ = 	snop;
	(pc) =	sbr.ind lr, $3  }
0x3a: {  	_ = 	snop  }
0x3b: {  	_ = 	snop  }
0x3c: {  	p2 =	seq.s32 s10, $0x1;
	s10 =	sld [smem:$0x3FB1]  }
0x3d: {  	_ =	shalt  }
0x3e: {  	_ =	shalt  }
0x3f: {  	_ =	shalt  }
0x40: {  	_ =	shalt  }
0x41: {  	_ =	shalt  }
0x42: {  	_ =	shalt  }
0x43: {  	_ =	shalt  }
0x44: {  	_ =	shalt  }
0x45: {  	_ =	shalt  }
0x46: {  	_ =	shalt  }
0x47: {  	_ =	shalt  }
0x48: {  	_ =	shalt  }
0x49: {  	_ =	shalt  }
0x4a: {  	_ =	shalt  }
0x4b: {  	_ =	shalt  }
0x4c: {  	_ =	shalt  }
0x4d: {  	_ =	shalt  }
0x4e: {  	_ =	shalt  }
0x4f: {  	_ =	shalt  }
0x50: {  	_ =	shalt  }
0x51: {  	_ =	shalt  }
0x52: {  	_ =	shalt  }
0x53: {  	_ =	shalt  }
0x54: {  	_ =	shalt  }
0x55: {  	_ =	shalt  }
0x56: {  	_ =	shalt  }
0x57: {  	_ =	shalt  }
0x58: {  	_ =	shalt  }
0x59: {  	_ =	shalt  }
0x5a: {  	_ =	shalt  }
0x5b: {  	_ =	shalt  }
0x5c: {  	_ =	shalt  }
0x5d: {  	_ =	shalt  }
0x5e: {  	_ =	shalt  }
0x5f: {  	_ =	shalt  }
0x60: {  	_ =	shalt  }
0x61: {  	_ =	shalt  }
0x62: {  	_ =	shalt  }
0x63: {  	_ =	shalt  }
0x64: {  	_ =	shalt  }
0x65: {  	_ =	shalt  }
0x66: {  	_ =	shalt  }
0x67: {  	_ =	shalt  }
0x68: {  	_ =	shalt  }
0x69: {  	_ =	shalt  }
0x6a: {  	_ =	shalt  }
0x6b: {  	_ =	shalt  }
0x6c: {  	_ =	shalt  }
0x6d: {  	_ =	shalt  }
0x6e: {  	_ =	shalt  }
0x6f: {  	_ =	shalt  }
0x70: {  	_ =	shalt  }
0x71: {  	_ =	shalt  }
0x72: {  	_ =	shalt  }
0x73: {  	_ =	shalt  }
0x74: {  	_ =	shalt  }
0x75: {  	_ =	shalt  }
0x76: {  	_ =	shalt  }
0x77: {  	_ =	shalt  }
0x78: {  	_ =	shalt  }
0x79: {  	_ =	shalt  }
0x7a: {  	_ =	shalt  }
0x7b: {  	_ =	shalt  }
0x7c: {  	_ =	shalt  }
0x7d: {  	_ =	shalt  }
0x7e: {  	_ =	shalt  }
0x7f: {  	_ =	shalt  }
0x80: {  	_ =	shalt  }
0x81: {  	_ =	shalt  }
0x82: {  	_ =	shalt  }
0x83: {  	_ =	shalt  }
0x84: {  	_ =	shalt  }
0x85: {  	_ =	shalt  }
0x86: {  	_ =	shalt  }
0x87: {  	_ =	shalt  }
.Lfunc_end0:
.L_simem_size_0:
called_computation_lowered:
.L_overlay_start_0:
0x88: {  	s2 =	sld [smem:$0x3FD9]  }
0x89: {  	s3 =	sld [smem:$0x3FFE];
	_ =	sdelay $0x1  }
0x8a: {  	s1 =	srdreg.scid  }
0x8b: {  	s0 =	sand.u32 $0x1, s1  }
0x8c: {  	s14 =	sshll.u32 s0, $0xA;
	s2 =	sadd.s32 s3, s2  }
0x8d: {  	s2 =	sadd.s32 s2, s14  }
0x8e: {  	[smem:$0x3FBD] =	sst s2  }
0x8f: {  	_ = 	snop  }
0x90: {  	s2 =	sld [smem:$0x3FD0];
	_ =	sdelay $0x2  }
0x91: {  	s15 =	simm.s32 $0xA;
	s4 =	simm.s32 $0x10  }
0x92: {  	[smem:s4], [sflag:s15] =	dma.local [hbm:s2], $0x1  }
0x93: {  	_ =	swait.eq [sflag:s15], $0x1  }
0x94: {  	[sflag:s15] =	ssyncset.done $0x0  }
0x95: {  	s16 =	sld [smem:$0x10];
	[sflag:s15] =	ssyncadd.s32 $0xFFFFFFFF  }
0x96: {  	s17 =	sld [smem:$0x11];
	(tm) =	ssettm $0x1  }
0x97: {  	s18 =	sld [smem:$0x3FFB];
	_ =	sdelay $0x3  }
0x98: {  	_ =	strace s18  }
0x99: {  	s4 =	sld [smem:$0x3FFC];
	_ =	sdelay $0x3  }
0x9a: {  	_ =	strace s4  }
0x9b: {  	s4 =	sld [smem:$0x3FFD];
	_ =	sdelay $0x3  }
0x9c: {  	_ =	strace s4  }
0x9d: {  	_ =	strace $0x8FFFFFFF  }
0x9e: {  	s19 =	sld [smem:$0x3FDB];
	_ =	sdelay $0x1  }
0x9f: {  	s5 =	simm.s32 $_scs_section_size  }
0xa0: {  	s6 =	simm.s32 $_size__tile_overlayer_lowered;
	s7 =	simm.s32 $_tile_overlayer_lowered  }
0xa1: {  	s22 =	simm.s32 $0x1BFF;
	s21 =	sshll.u32 s7, $0x1;
	s4 =	sadd.s32 s5, s19  }
0xa2: {  	s8 =	simm.s32 $0x0;
	s20 =	sshll.u32 s6, $0x1;
	s6 =	sadd.s32 s21, s4  }
0xa3: {  	[timem:s8], [sflag:s22] =	dma.local [hbm:s6], s20  }
0xa4: {  	_ =	swait.ge [sflag:s22], s20  }
0xa5: {  	s5 =	ssub.s32 $0x0, s20;
	[sflag:s22] =	ssyncset.done $0x0  }
0xa6: {  	[sflag:s22] =	ssyncadd.s32 s5;
	_ =	sdelay $0x1  }
0xa7: {  	s23 =	simm.s32 $0x1B8B  }
0xa8: {  	_ =	swait.ge [sflag:s23], $0x1  }
0xa9: {  	[sflag:s23] =	ssyncset.done $0x0  }
0xaa: {  	s25 =	simm.s32 $0x1B8E;
	s24 =	sld [smem:$0x3FFE];
	[sflag:s23] =	ssyncadd.s32 $0xFFFFFFFF  }
0xab: {  	s26 =	simm.s32 $execute0_lowered;
	[smem:$0x3FD2] =	sst s25  }
0xac: {  	s6 =	sshll.u32 s26, $0x1;
	_ =	strace $0x80000046;
	[dreg:$0x1] =	wrdreg $0xFFFFFFFF  }
0xad: {  	s28 =	simm.s32 $_size_execute0_lowered;
	s4 =	sadd.s32 s4, s6;
	[dreg:$0x0] =	wrdreg $0x0  }
0xae: {  	s6 =	sshll.u32 s28, $0x1;
	[dreg:$0x2] =	wrdreg s4  }
0xaf: {  	[dreg:$0x3] =	wrdreg s6  }
0xb0: {  	[dreg:$0x4] =	wrdreg $0xC0  }
0xb1: {  	_ =	task [dreg:s8], $0x5FFFF  }
0xb2: {  	[dreg:$0x1] =	wrdreg $0xFFFFFFFF  }
0xb3: {  	[dreg:$0x0] =	wrdreg $0x60  }
0xb4: {  	[dreg:$0x2] =	wrdreg s16  }
0xb5: {  	[dreg:$0x3] =	wrdreg s17  }
0xb6: {  	[dreg:$0x4] =	wrdreg s24  }
0xb7: {  	[dreg:$0x5] =	wrdreg $0x9  }
0xb8: {  	_ =	task.clear_ibuf [dreg:s8], $0x6FFFF;
	_ =	strace $0x90000046  }
0xb9: {  	s29 =	simm.s32 $0x9;
	_ =	strace $0x80000048  }
0xba: {  	_ =	swait.ge [sflag:s29], $0x1  }
0xbb: {  	[sflag:s29] =	ssyncadd.s32 $0xFFFFFFFF  }
0xbc: {  	_ =	strace $0x90000048  }
0xbd: {  	_ =	sfence  }
0xbe: {  	s30 =	sld [smem:$0x0];
	_ =	sdelay $0x2  }
0xbf: {  	s31 =	sshll.u32 s1, $0xD;
	s1 =	sshrl.u32 s1, $0x2  }
0xc0: {  	s3 =	sand.u32 $0x4000, s31;
	s1 =	sadd.s32 s1, s30  }
0xc1: {  	s0 =	sor.u32 s3, s0;
	s1 =	sshll.u32 s1, $0x11  }
0xc2: {  	s0 =	sor.u32 s1, s0  }
0xc3: {  	s0 =	sadd.s32 $0x8F2B, s0  }
0xc4: {  	[sflag:s0] =	ssyncadd.remote.s32 $0x1  }
0xc5: {  	_ =	sfence.sel $0xFFFF  }
0xc6: {  	[dreg:$0x0] =	wrdreg $0xFFFFFFFF;
	(pc) =	sbr.abs _section_cstart, $3  }
0xc7: {  	[dreg:$0x1] =	wrdreg $0xFFFFFFFF  }
0xc8: {  	_ =	task.clear_ibuf [dreg:s8], $0x2FFFF;
	_ =	strace $0x9FFFFFFF  }
0xc9: {  	(tm) =	ssettm $0x7FFFFFFF  }
tec
execute0_lowered:
.L_overlay_start_1:
0x0: {  	(tag) =	ssettag $0x1  }
0x1: {  	s1 =	rddreg [dreg:$0x0]  }
0x2: {  	s2 =	rddreg [dreg:$0x1]  }
0x3: {  	s5 =	rddreg [dreg:$0x2]  }
0x4: {  	s0 =	rddreg [dreg:$0x3];
	s4 =	simm.s32 $0x0  }
0x5: {  	s6 =	srdreg.scid;
	s3 =	stileid.u32;
	s12 =	simm.s32 $0x50  }
0x6: {  	s13 =	simm.s32 $0x8000;
	s14 =	simm.s32 $0x1;
	s15 =	simm.s32 $0x0  }
0x7: {  	[smem:$0x7FF] =	sst s4;
	s6 =	sand.u32 $0x1, s6;
	s7 =	sshll.u32 s3, $0xC  }
0x8: {  	s9 =	smul.u32 $0x4E200, s3;
	_ =	strace $0x80000047;
	s8 =	sshll.u32 s6, $0xB  }
0x9: {  	s10 =	ssub.s32 $0x2, s6;
	s11 =	smul.u32 $0x27100, s6;
	s7 =	sor.u32 s8, s7  }
0xa: {  	s29 =	sshrl.u32 s10, $0x1;
	s31 =	sadd.s32 s9, s5;
	s30 =	sadd.s32 s7, s5  }
0xb: {  	s8 =	ssub.s32 s10, s29;
	s9 =	sadd.s32 s11, s31;
	s10 =	simm.s32 $0x2  }
0xc: {  	s11 =	simm.s32 $0x4000;
	s5 =	sadd.s32 $0x13200, s30;
	s6 =	sadd.s32 $0x3200, s30  }
0xd: {  	s7 =	smax.u32 s8, $0x1;
	s8 =	sadd.s32 $0x23200, s9;
	s9 =	sadd.s32 $0x505200, s9  }
.LBB2_1:
0xe: {  	[tilespmem:s4], [sflag:$0x2] =	stream.linear.gather [hbm4b:s5+s4], $0x3E80, $0x38;
	[tilespmem:$0xA800] =	vst v63  }
0xf: {  	_ =	swait.ge [sflag:s10], $0x3E80  }
0x10: {  	[sflag:s10] =	ssyncset.done $0x0  }
0x11: {  	[sflag:s10] =	ssyncadd.s32 $0xFFFFC180  }
0x12: {  	[tilespmem:s11], [sflag:$0x2] =	stream.linear.gather [hbm4b:s6+s4], $0x3E80, $0x38;
	[tilespmem:$0xA800] =	vst v63  }
0x13: {  	_ =	swait.ge [sflag:s10], $0x3E80  }
0x14: {  	[sflag:s10] =	ssyncset.done $0x0  }
0x15: {  	s16 =	simm.s32 $0x0;
	[sflag:s10] =	ssyncadd.s32 $0xFFFFC180  }
0x16: {  	[tilespmem:s13], [sflag:$0x1] =	stream.indirect.gather [hbm4b:s1+s12], $0x80, s16, s12, $0xb8;
	[tilespmem:$0xA800] =	vst v63  }
0x17: {  	_ =	swait.ge [sflag:s14], $0x2800  }
0x18: {  	[sflag:s14] =	ssyncset.done $0x0  }
0x19: {  	[sflag:s14] =	ssyncadd.s32 $0xFFFFD800  }
0x1a: {  	[hbm4b:s8+s4] =	stream.linear.scatter [tilespmem:s13], [sflag:$0x2], $0x2800, $0x38;
	[tilespmem:$0xA800] =	vst v63  }
0x1b: {  	_ =	swait.ge [sflag:s10], $0x2800  }
0x1c: {  	[sflag:s10] =	ssyncset.done $0x0  }
0x1d: {  	s31 =	simm.s32 $0x4000;
	[sflag:s10] =	ssyncadd.s32 $0xFFFFD800  }
0x1e: {  	[tilespmem:s13], [sflag:$0x1] =	stream.indirect.gather [hbm4b:s2+s12], $0x80, s31, s12, $0xb8;
	[tilespmem:$0xA800] =	vst v63  }
0x1f: {  	_ =	swait.ge [sflag:s14], $0x2800  }
0x20: {  	[sflag:s14] =	ssyncset.done $0x0  }
0x21: {  	[sflag:s14] =	ssyncadd.s32 $0xFFFFD800  }
0x22: {  	[hbm4b:s9+s4] =	stream.linear.scatter [tilespmem:s13], [sflag:$0x2], $0x2800, $0x38;
	[tilespmem:$0xA800] =	vst v63  }
0x23: {  	s18 =	simm.s32 $0x200;
	s19 =	simm.s32 $0x400;
	_ =	swait.ge [sflag:s10], $0x2800  }
0x24: {  	s17 =	sadd.s32 $0x500, s8;
	s16 =	sadd.s32 $0x500, s9;
	[sflag:s10] =	ssyncset.done $0x0  }
.LBB2_2:
0x25: {  	s20 =	sshra.s32 s18, $0x2  }
0x26: {  	[sflag:s10] =	ssyncadd.s32 $0xFFFFD800;
	s18 =	smov.u32 s19;
	s21 =	sadd.s32 $0x200, s19  }
0x27: {  	[tilespmem:s13], [sflag:$0x1] =	stream.indirect.gather [hbm4b:s1+s12], $0x80, s20, s12, $0xb8;
	[tilespmem:$0xA800] =	vst v63  }
0x28: {  	p0 =	sne.s32 s19, $0xF800;
	_ =	swait.ge [sflag:s14], $0x2800  }
0x29: {  	[sflag:s14] =	ssyncset.done $0x0  }
0x2a: {  	[sflag:s14] =	ssyncadd.s32 $0xFFFFD800  }
0x2b: {  	[hbm4b:s17+s4] =	stream.linear.scatter [tilespmem:s13], [sflag:$0x2], $0x2800, $0x38;
	[tilespmem:$0xA800] =	vst v63  }
0x2c: {  	_ =	swait.ge [sflag:s10], $0x2800  }
0x2d: {  	[sflag:s10] =	ssyncset.done $0x0  }
0x2e: {  	s19 =	sadd.s32 $0x4000, s20;
	[sflag:s10] =	ssyncadd.s32 $0xFFFFD800  }
0x2f: {  	[tilespmem:s13], [sflag:$0x1] =	stream.indirect.gather [hbm4b:s2+s12], $0x80, s19, s12, $0xb8;
	[tilespmem:$0xA800] =	vst v63  }
0x30: {  	_ =	swait.ge [sflag:s14], $0x2800  }
.Ltmp0:
0x31: {  	[sflag:s14] =	ssyncset.done $0x0;
	(pc) =	sbr.rel @p0 .LBB2_2-.Ltmp0, $4  }
0x32: {  	[sflag:s14] =	ssyncadd.s32 $0xFFFFD800  }
0x33: {  	[hbm4b:s16+s4] =	stream.linear.scatter [tilespmem:s13], [sflag:$0x2], $0x2800, $0x38;
	[tilespmem:$0xA800] =	vst v63  }
0x34: {  	s17 =	sadd.s32 $0x500, s17;
	_ =	swait.ge [sflag:s10], $0x2800  }
0x35: {  	s19 =	smov.u32 s21;
	s16 =	sadd.s32 $0x500, s16;
	[sflag:s10] =	ssyncset.done $0x0  }
0x36: {  	s18 =	sshra.s32 s18, $0x2;
	[sflag:s10] =	ssyncadd.s32 $0xFFFFD800  }
0x37: {  	[tilespmem:s13], [sflag:$0x1] =	stream.indirect.gather [hbm4b:s1+s12], $0x80, s18, s12, $0xb8;
	[tilespmem:$0xA800] =	vst v63  }
0x38: {  	_ =	swait.ge [sflag:s14], $0x2800  }
0x39: {  	[sflag:s14] =	ssyncset.done $0x0  }
0x3a: {  	[sflag:s14] =	ssyncadd.s32 $0xFFFFD800  }
0x3b: {  	[hbm4b:s17+s4] =	stream.linear.scatter [tilespmem:s13], [sflag:$0x2], $0x2800, $0x38;
	[tilespmem:$0xA800] =	vst v63  }
0x3c: {  	_ =	swait.ge [sflag:s10], $0x2800  }
0x3d: {  	[sflag:s10] =	ssyncset.done $0x0  }
0x3e: {  	s31 =	sadd.s32 $0x4000, s18;
	[sflag:s10] =	ssyncadd.s32 $0xFFFFD800  }
0x3f: {  	[tilespmem:s13], [sflag:$0x1] =	stream.indirect.gather [hbm4b:s2+s12], $0x80, s31, s12, $0xb8;
	[tilespmem:$0xA800] =	vst v63  }
0x40: {  	s15 =	sadd.s32 $0x1, s15;
	_ =	swait.ge [sflag:s14], $0x2800  }
0x41: {  	p0 =	sne.s32 s15, s7;
	[sflag:s14] =	ssyncset.done $0x0  }
.Ltmp1:
0x42: {  	[sflag:s14] =	ssyncadd.s32 $0xFFFFD800;
	(pc) =	sbr.rel @p0 .LBB2_1-.Ltmp1, $4  }
0x43: {  	[hbm4b:s16+s4] =	stream.linear.scatter [tilespmem:s13], [sflag:$0x2], $0x2800, $0x38;
	[tilespmem:$0xA800] =	vst v63  }
0x44: {  	_ =	swait.ge [sflag:s10], $0x2800  }
0x45: {  	[sflag:s10] =	ssyncset.done $0x0  }
0x46: {  	[sflag:s10] =	ssyncadd.s32 $0xFFFFD800  }
0x47: {  	_ =	sfence.sel $0x180000  }
0x48: {  	[bflag:$0x0] =	sbarrier.arrive $0xFFFF  }
0x49: {  	p0 =	sne.s32 s3, $0x0;
	_ =	strace $0x90000047  }
0x4a: {  	s0 =	sadd.s32 @!p0 $0x100000, s0;
	[bflag:$0x2] =	sbarrier.arrive $0xFFFF  }
0x4b: {  	[sflag:s0] =	ssyncadd.tile.s32 @!p0 $0x1;
	_ =	shalt  }
.Lfunc_end2:
_tile_overlayer_lowered:
.L_overlay_start_2:
0x4c: {  	(tag) =	ssettag $0x2  }
0x4d: {  	s0 =	rddreg [dreg:$0x0];
	s2 =	stileid.u32  }
0x4e: {  	s1 =	rddreg [dreg:$0x1];
	p0 =	sne.s32 s2, $0x0  }
0x4f: {  	s3 =	rddreg [dreg:$0x2];
	[bflag:$0x3] =	sbarrier.arrive $0xFFFF;
	s2 =	simm.s32 @!p0 $0x1C02  }
0x50: {  	[timem:s3], [sflag:s2] =	dma.local @!p0 [hbm:s0], s1  }
0x51: {  	s0 =	simm.s32 @!p0 $0x2  }
0x52: {  	_ =	swait.ge @!p0 [sflag:s0], s1  }
0x53: {  	s1 =	ssub.s32 @!p0 $0x0, s1;
	[sflag:s0] =	ssyncset.done @!p0 $0x0  }
0x54: {  	[sflag:s0] =	ssyncadd.s32 @!p0 s1  }
0x55: {  	[bflag:$0x3] =	sbarrier.arrive $0xFFFF  }
0x56: {  	_ =	shalt  }

</sc_bundles>
